<compile_context>
chip_gen: v7x
topology: tpu7x:2x2x1
jax: 0.10.2.dev20260603
libtpu: 0.0.44.dev20260713+nightly
codegen_flags: <defaults>
</compile_context>

<pallas_src>
import functools

import jax
import jax.numpy as jnp
from jax import lax
from jax.experimental import pallas as pl
from jax.experimental.pallas import tpu as pltpu
from jax.experimental.pallas import tpu_sc as plsc

_B, _L, _P, _D = 128, 200, 2048, 128
_BL = _B * _L

_NC, _NS = 2, 16
_NW = _NC * _NS
_PER_W = _BL // _NW
_CHUNK = 80
_NCHUNK = _PER_W // _CHUNK


@functools.cache
def _make_gather_rows():
    @functools.partial(
        pl.kernel,
        out_type=jax.ShapeDtypeStruct((_BL, _D), jnp.float32),
        mesh=plsc.VectorSubcoreMesh(core_axis_name="c", subcore_axis_name="s",
                                    num_cores=_NC, num_subcores=_NS),
        scratch_types=[
            pltpu.VMEM((_NCHUNK, _CHUNK), jnp.int32),
            pltpu.VMEM((_PER_W, _D), jnp.float32),
            pltpu.SemaphoreType.DMA,
        ],
    )
    def _gather_rows(idx_hbm, table_hbm, out_hbm, idx_v, rows_v, sem):
        wid = lax.axis_index("s") * _NC + lax.axis_index("c")
        base = wid * _PER_W
        pltpu.sync_copy(idx_hbm.at[wid], idx_v)
        copies = []
        for j in range(_NCHUNK):
            copies.append(pltpu.async_copy(
                table_hbm.at[idx_v.at[j]],
                rows_v.at[pl.ds(j * _CHUNK, _CHUNK)], sem))
        for c in copies:
            c.wait()
        pltpu.sync_copy(rows_v, out_hbm.at[pl.ds(base, _PER_W)])

    return _gather_rows


_BB = 16


def _enc_body(tok_ref, w_ref, b_ref, out_ref):
    t = tok_ref[...].reshape(_BB * _L, _D)
    y = jnp.tanh(jnp.dot(t, w_ref[...], preferred_element_type=jnp.float32)
                 + b_ref[...])
    m = jnp.mean(y.reshape(_BB, _L, _D), axis=1)
    n = jnp.sqrt(jnp.sum(m * m, axis=1, keepdims=True))
    out_ref[...] = m / jnp.clip(n, 1e-12, None)


_DN = (((1,), (1,)), ((), ()))
_NB = 8


def _scores_body(cand_ref, state_ref, out_ref):
    s = state_ref[0].astype(jnp.bfloat16)
    ones = jnp.ones((1, _D), jnp.bfloat16)
    parts = []
    for b in range(_NB):
        c = cand_ref[b * _P:(b + 1) * _P]
        cb = c.astype(jnp.bfloat16)
        dot = lax.dot_general(s[b:b + 1], cb, _DN,
                              preferred_element_type=jnp.float32)
        sq = lax.dot_general(ones, cb * cb, _DN,
                             preferred_element_type=jnp.float32)
        parts.append(dot / jnp.clip(jnp.sqrt(sq), 1e-12, None))
    out_ref[0] = jnp.concatenate(parts, axis=1)


def kernel(state_input_ids, candidate_doc_embs, emb_table, W_enc, b_enc):
    ids = state_input_ids.reshape(_NW, _NCHUNK, _CHUNK).astype(jnp.int32)
    tok = _make_gather_rows()(ids, emb_table).reshape(_B, _L, _D)

    state = pl.pallas_call(
        _enc_body,
        grid=(_B // _BB,),
        in_specs=[
            pl.BlockSpec((_BB, _L, _D), lambda i: (i, 0, 0)),
            pl.BlockSpec((_D, _D), lambda i: (0, 0)),
            pl.BlockSpec((1, _D), lambda i: (0, 0)),
        ],
        out_specs=pl.BlockSpec((_BB, _D), lambda i: (i, 0)),
        out_shape=jax.ShapeDtypeStruct((_B, _D), jnp.float32),
    )(tok, W_enc, b_enc.reshape(1, _D))

    cand2 = candidate_doc_embs.reshape(_B * _P, _D)
    scores = pl.pallas_call(
        _scores_body,
        grid=(_B // _NB,),
        in_specs=[
            pl.BlockSpec((_NB * _P, _D), lambda i: (i, 0)),
            pl.BlockSpec((1, _NB, _D), lambda i: (i, 0, 0)),
        ],
        out_specs=pl.BlockSpec((1, 1, _NB * _P), lambda i: (i, 0, 0)),
        out_shape=jax.ShapeDtypeStruct((_B // _NB, 1, _NB * _P), jnp.float32),
    )(cand2, state.reshape(_B // _NB, _NB, _D))
    return scores.reshape(_B, _P)

# --- scband reference (transcript-rebuilt; emitter-appended) ---
"""Pipeline reference for scband-harrretriever-72559177499328 (READ-ONLY COPY).

The authoritative reference and input builder live on the scoring server;
editing this copy changes nothing except your own understanding.
"""

import jax, jax.numpy as jnp
import numpy as np

B, L, P, D, V = 128, 200, 2048, 128, 100000


def setup_inputs(seed: int = 0):
    key = jax.random.key(seed)
    k1, k2, k3, k4 = jax.random.split(key, 4)
    return {
        "state_input_ids": jax.random.randint(k1, (B, L), 0, V),
        "candidate_doc_embs": jax.random.normal(k2, (B, P, D), dtype=jnp.float32),
        "emb_table": jax.random.normal(k3, (V, D), dtype=jnp.float32) * 0.02,
        "W_enc": jax.random.normal(k4, (D, D), dtype=jnp.float32) * (1.0 / np.sqrt(D)),
        "b_enc": jnp.zeros((D,), dtype=jnp.float32),
    }


def _l2_normalize(x, axis):
    # mirrors torch F.normalize(p=2): x / clamp_min(||x||_2, eps)
    n = jnp.sqrt(jnp.sum(x * x, axis=axis, keepdims=True))
    return x / jnp.clip(n, 1e-12, None)


def _query_encoder(state_input_ids, emb_table, W_enc, b_enc):
    # stand-in for the opaque query_encoder module:
    # embedding lookup (SparseCore gather) -> per-token linear + tanh -> mean pool
    tok = jnp.take(emb_table, state_input_ids, axis=0)  # [B, L, D]
    tok = jnp.tanh(tok @ W_enc + b_enc)                 # [B, L, D]
    return jnp.mean(tok, axis=1)                        # [B, D]


def reference(state_input_ids, candidate_doc_embs, emb_table, W_enc, b_enc):
    state_emb = _query_encoder(state_input_ids, emb_table, W_enc, b_enc)  # [B, D]
    state_emb = _l2_normalize(state_emb, axis=1)
    cand = _l2_normalize(candidate_doc_embs, axis=2)                      # [B, P, D]
    # torch.bmm(cand, state_emb.unsqueeze(2)).squeeze(2)
    scores = jnp.einsum('bpd,bd->bp', cand, state_emb)                    # [B, P]
    return scores

if __name__ == "__main__":
    import jax
    _d = setup_inputs()
    print(jax.jit(kernel)(*tuple(_d.values())))

</pallas_src>

<mosaic_0001>
#map = affine_map<(d0, d1) -> (0, 0, 0)>
#map1 = affine_map<(d0, d1) -> (0, 0)>
module attributes {stable_mosaic.version = 14 : i64} {
  func.func @_gather_rows(%arg0: i32, %arg1: i32, %arg2: memref<32x10x80xi32, #tpu.memory_space<hbm>>, %arg3: memref<100000x128xf32, #tpu.memory_space<hbm>>, %arg4: memref<25600x128xf32, #tpu.memory_space<hbm>>, %arg5: memref<10x80xi32, #tpu.memory_space<vmem>>, %arg6: memref<800x128xf32, #tpu.memory_space<vmem>>, %arg7: memref<!tpu.dma_semaphore, #tpu.memory_space<semaphore_mem>>) attributes {dimension_semantics = [#tpu.dimension_semantics<core_parallel>, #tpu.dimension_semantics<subcore_parallel>], iteration_bounds = array<i64: 2, 16>, scalar_prefetch = 0 : i64, scratch_operands = 3 : i64, tpu.core_type = #tpu.core_type<sc_vector_subcore>, window_params = [{transform_indices = #map}, {transform_indices = #map1}, {transform_indices = #map1}]} {
    %mul3A = arith.constant 2 : i32
    %mul3A_0 = arith.muli %arg1, %mul3A : i32
    %add3A = arith.addi %mul3A_0, %arg0 : i32
    %mul3A_1 = arith.constant 800 : i32
    %mul3A_2 = arith.muli %add3A, %mul3A_1 : i32
    "tpu.region"() ({
      %run_scoped3A = tpu.sem_alloc : memref<!tpu.dma_semaphore, #tpu.memory_space<semaphore_mem>>
      %dma_start3A_201 = arith.constant 0 : i32
      %dma_start3A_202 = arith.constant 0 : i32
      %dma_start3A_203 = tpu.memref_slice %arg2[%add3A, %dma_start3A_201, %dma_start3A_202] : memref<32x10x80xi32, #tpu.memory_space<hbm>> -> memref<1x10x80xi32, #tpu.memory_space<hbm>>
      %dma_start3A_204 = tpu.memref_squeeze %dma_start3A_203 : memref<1x10x80xi32, #tpu.memory_space<hbm>> -> memref<10x80xi32, #tpu.memory_space<hbm>>
      %dma_start3A_205 = arith.constant 0 : i32
      %dma_start3A_206 = arith.constant 0 : i32
      %dma_start3A_207 = tpu.memref_slice %arg2[%add3A, %dma_start3A_205, %dma_start3A_206] : memref<32x10x80xi32, #tpu.memory_space<hbm>> -> memref<1x10x80xi32, #tpu.memory_space<hbm>>
      %dma_start3A_208 = tpu.memref_squeeze %dma_start3A_207 : memref<1x10x80xi32, #tpu.memory_space<hbm>> -> memref<10x80xi32, #tpu.memory_space<hbm>>
      tpu.enqueue_dma source(%dma_start3A_208 : memref<10x80xi32, #tpu.memory_space<hbm>>) target(%arg5 : memref<10x80xi32, #tpu.memory_space<vmem>>) target_semaphore(%run_scoped3A : memref<!tpu.dma_semaphore, #tpu.memory_space<semaphore_mem>>)
      %dma_wait3A_209 = arith.constant 0 : i32
      %dma_wait3A_210 = arith.constant 0 : i32
      %dma_wait3A_211 = tpu.memref_slice %arg2[%add3A, %dma_wait3A_209, %dma_wait3A_210] : memref<32x10x80xi32, #tpu.memory_space<hbm>> -> memref<1x10x80xi32, #tpu.memory_space<hbm>>
      %dma_wait3A_212 = tpu.memref_squeeze %dma_wait3A_211 : memref<1x10x80xi32, #tpu.memory_space<hbm>> -> memref<10x80xi32, #tpu.memory_space<hbm>>
      %dma_wait3A_213 = arith.constant 0 : i32
      %dma_wait3A_214 = arith.constant 0 : i32
      %dma_wait3A_215 = tpu.memref_slice %arg2[%add3A, %dma_wait3A_213, %dma_wait3A_214] : memref<32x10x80xi32, #tpu.memory_space<hbm>> -> memref<1x10x80xi32, #tpu.memory_space<hbm>>
      %dma_wait3A_216 = tpu.memref_squeeze %dma_wait3A_215 : memref<1x10x80xi32, #tpu.memory_space<hbm>> -> memref<10x80xi32, #tpu.memory_space<hbm>>
      tpu.wait_dma2 semaphore(%run_scoped3A : memref<!tpu.dma_semaphore, #tpu.memory_space<semaphore_mem>>) src(%dma_wait3A_216 : memref<10x80xi32, #tpu.memory_space<hbm>>) dst(%arg5 : memref<10x80xi32, #tpu.memory_space<vmem>>)
      tpu.yield
    }) : () -> ()
    %dma_start3A = arith.constant 0 : i32
    %dma_start3A_3 = arith.constant 0 : i32
    %dma_start3A_4 = arith.constant 0 : i32
    %dma_start3A_5 = tpu.memref_slice %arg6[%dma_start3A_3, %dma_start3A_4] : memref<800x128xf32, #tpu.memory_space<vmem>> -> memref<80x128xf32, #tpu.memory_space<vmem>>
    %dma_start3A_6 = arith.constant 0 : i32
    %dma_start3A_7 = tpu.memref_slice %arg5[%dma_start3A, %dma_start3A_6] : memref<10x80xi32, #tpu.memory_space<vmem>> -> memref<1x80xi32, #tpu.memory_space<vmem>>
    %dma_start3A_8 = tpu.memref_squeeze %dma_start3A_7 : memref<1x80xi32, #tpu.memory_space<vmem>> -> memref<80xi32, #tpu.memory_space<vmem>>
    %dma_start3A_9 = arith.constant 0 : i32
    %dma_start3A_10 = arith.constant 0 : i32
    %dma_start3A_11 = tpu.memref_slice %arg3[%dma_start3A_9, %dma_start3A_10] : memref<100000x128xf32, #tpu.memory_space<hbm>> -> memref<100000x128xf32, #tpu.memory_space<hbm>>
    tpu.enqueue_indirect_dma source(%dma_start3A_11 : memref<100000x128xf32, #tpu.memory_space<hbm>>) target(%dma_start3A_5 : memref<80x128xf32, #tpu.memory_space<vmem>>) offsets(%dma_start3A_8 : memref<80xi32, #tpu.memory_space<vmem>>) semaphore(%arg7 : memref<!tpu.dma_semaphore, #tpu.memory_space<semaphore_mem>>)
    %dma_start3A_12 = arith.constant 1 : i32
    %dma_start3A_13 = arith.constant 80 : i32
    %dma_start3A_14 = arith.constant 0 : i32
    %dma_start3A_15 = tpu.memref_slice %arg6[%dma_start3A_13, %dma_start3A_14] : memref<800x128xf32, #tpu.memory_space<vmem>> -> memref<80x128xf32, #tpu.memory_space<vmem>>
    %dma_start3A_16 = arith.constant 0 : i32
    %dma_start3A_17 = tpu.memref_slice %arg5[%dma_start3A_12, %dma_start3A_16] : memref<10x80xi32, #tpu.memory_space<vmem>> -> memref<1x80xi32, #tpu.memory_space<vmem>>
    %dma_start3A_18 = tpu.memref_squeeze %dma_start3A_17 : memref<1x80xi32, #tpu.memory_space<vmem>> -> memref<80xi32, #tpu.memory_space<vmem>>
    %dma_start3A_19 = arith.constant 0 : i32
    %dma_start3A_20 = arith.constant 0 : i32
    %dma_start3A_21 = tpu.memref_slice %arg3[%dma_start3A_19, %dma_start3A_20] : memref<100000x128xf32, #tpu.memory_space<hbm>> -> memref<100000x128xf32, #tpu.memory_space<hbm>>
    tpu.enqueue_indirect_dma source(%dma_start3A_21 : memref<100000x128xf32, #tpu.memory_space<hbm>>) target(%dma_start3A_15 : memref<80x128xf32, #tpu.memory_space<vmem>>) offsets(%dma_start3A_18 : memref<80xi32, #tpu.memory_space<vmem>>) semaphore(%arg7 : memref<!tpu.dma_semaphore, #tpu.memory_space<semaphore_mem>>)
    %dma_start3A_22 = arith.constant 2 : i32
    %dma_start3A_23 = arith.constant 160 : i32
    %dma_start3A_24 = arith.constant 0 : i32
    %dma_start3A_25 = tpu.memref_slice %arg6[%dma_start3A_23, %dma_start3A_24] : memref<800x128xf32, #tpu.memory_space<vmem>> -> memref<80x128xf32, #tpu.memory_space<vmem>>
    %dma_start3A_26 = arith.constant 0 : i32
    %dma_start3A_27 = tpu.memref_slice %arg5[%dma_start3A_22, %dma_start3A_26] : memref<10x80xi32, #tpu.memory_space<vmem>> -> memref<1x80xi32, #tpu.memory_space<vmem>>
    %dma_start3A_28 = tpu.memref_squeeze %dma_start3A_27 : memref<1x80xi32, #tpu.memory_space<vmem>> -> memref<80xi32, #tpu.memory_space<vmem>>
    %dma_start3A_29 = arith.constant 0 : i32
    %dma_start3A_30 = arith.constant 0 : i32
    %dma_start3A_31 = tpu.memref_slice %arg3[%dma_start3A_29, %dma_start3A_30] : memref<100000x128xf32, #tpu.memory_space<hbm>> -> memref<100000x128xf32, #tpu.memory_space<hbm>>
    tpu.enqueue_indirect_dma source(%dma_start3A_31 : memref<100000x128xf32, #tpu.memory_space<hbm>>) target(%dma_start3A_25 : memref<80x128xf32, #tpu.memory_space<vmem>>) offsets(%dma_start3A_28 : memref<80xi32, #tpu.memory_space<vmem>>) semaphore(%arg7 : memref<!tpu.dma_semaphore, #tpu.memory_space<semaphore_mem>>)
    %dma_start3A_32 = arith.constant 3 : i32
    %dma_start3A_33 = arith.constant 240 : i32
    %dma_start3A_34 = arith.constant 0 : i32
    %dma_start3A_35 = tpu.memref_slice %arg6[%dma_start3A_33, %dma_start3A_34] : memref<800x128xf32, #tpu.memory_space<vmem>> -> memref<80x128xf32, #tpu.memory_space<vmem>>
    %dma_start3A_36 = arith.constant 0 : i32
    %dma_start3A_37 = tpu.memref_slice %arg5[%dma_start3A_32, %dma_start3A_36] : memref<10x80xi32, #tpu.memory_space<vmem>> -> memref<1x80xi32, #tpu.memory_space<vmem>>
    %dma_start3A_38 = tpu.memref_squeeze %dma_start3A_37 : memref<1x80xi32, #tpu.memory_space<vmem>> -> memref<80xi32, #tpu.memory_space<vmem>>
    %dma_start3A_39 = arith.constant 0 : i32
    %dma_start3A_40 = arith.constant 0 : i32
    %dma_start3A_41 = tpu.memref_slice %arg3[%dma_start3A_39, %dma_start3A_40] : memref<100000x128xf32, #tpu.memory_space<hbm>> -> memref<100000x128xf32, #tpu.memory_space<hbm>>
    tpu.enqueue_indirect_dma source(%dma_start3A_41 : memref<100000x128xf32, #tpu.memory_space<hbm>>) target(%dma_start3A_35 : memref<80x128xf32, #tpu.memory_space<vmem>>) offsets(%dma_start3A_38 : memref<80xi32, #tpu.memory_space<vmem>>) semaphore(%arg7 : memref<!tpu.dma_semaphore, #tpu.memory_space<semaphore_mem>>)
    %dma_start3A_42 = arith.constant 4 : i32
    %dma_start3A_43 = arith.constant 320 : i32
    %dma_start3A_44 = arith.constant 0 : i32
    %dma_start3A_45 = tpu.memref_slice %arg6[%dma_start3A_43, %dma_start3A_44] : memref<800x128xf32, #tpu.memory_space<vmem>> -> memref<80x128xf32, #tpu.memory_space<vmem>>
    %dma_start3A_46 = arith.constant 0 : i32
    %dma_start3A_47 = tpu.memref_slice %arg5[%dma_start3A_42, %dma_start3A_46] : memref<10x80xi32, #tpu.memory_space<vmem>> -> memref<1x80xi32, #tpu.memory_space<vmem>>
    %dma_start3A_48 = tpu.memref_squeeze %dma_start3A_47 : memref<1x80xi32, #tpu.memory_space<vmem>> -> memref<80xi32, #tpu.memory_space<vmem>>
    %dma_start3A_49 = arith.constant 0 : i32
    %dma_start3A_50 = arith.constant 0 : i32
    %dma_start3A_51 = tpu.memref_slice %arg3[%dma_start3A_49, %dma_start3A_50] : memref<100000x128xf32, #tpu.memory_space<hbm>> -> memref<100000x128xf32, #tpu.memory_space<hbm>>
    tpu.enqueue_indirect_dma source(%dma_start3A_51 : memref<100000x128xf32, #tpu.memory_space<hbm>>) target(%dma_start3A_45 : memref<80x128xf32, #tpu.memory_space<vmem>>) offsets(%dma_start3A_48 : memref<80xi32, #tpu.memory_space<vmem>>) semaphore(%arg7 : memref<!tpu.dma_semaphore, #tpu.memory_space<semaphore_mem>>)
    %dma_start3A_52 = arith.constant 5 : i32
    %dma_start3A_53 = arith.constant 400 : i32
    %dma_start3A_54 = arith.constant 0 : i32
    %dma_start3A_55 = tpu.memref_slice %arg6[%dma_start3A_53, %dma_start3A_54] : memref<800x128xf32, #tpu.memory_space<vmem>> -> memref<80x128xf32, #tpu.memory_space<vmem>>
    %dma_start3A_56 = arith.constant 0 : i32
    %dma_start3A_57 = tpu.memref_slice %arg5[%dma_start3A_52, %dma_start3A_56] : memref<10x80xi32, #tpu.memory_space<vmem>> -> memref<1x80xi32, #tpu.memory_space<vmem>>
    %dma_start3A_58 = tpu.memref_squeeze %dma_start3A_57 : memref<1x80xi32, #tpu.memory_space<vmem>> -> memref<80xi32, #tpu.memory_space<vmem>>
    %dma_start3A_59 = arith.constant 0 : i32
    %dma_start3A_60 = arith.constant 0 : i32
    %dma_start3A_61 = tpu.memref_slice %arg3[%dma_start3A_59, %dma_start3A_60] : memref<100000x128xf32, #tpu.memory_space<hbm>> -> memref<100000x128xf32, #tpu.memory_space<hbm>>
    tpu.enqueue_indirect_dma source(%dma_start3A_61 : memref<100000x128xf32, #tpu.memory_space<hbm>>) target(%dma_start3A_55 : memref<80x128xf32, #tpu.memory_space<vmem>>) offsets(%dma_start3A_58 : memref<80xi32, #tpu.memory_space<vmem>>) semaphore(%arg7 : memref<!tpu.dma_semaphore, #tpu.memory_space<semaphore_mem>>)
    %dma_start3A_62 = arith.constant 6 : i32
    %dma_start3A_63 = arith.constant 480 : i32
    %dma_start3A_64 = arith.constant 0 : i32
    %dma_start3A_65 = tpu.memref_slice %arg6[%dma_start3A_63, %dma_start3A_64] : memref<800x128xf32, #tpu.memory_space<vmem>> -> memref<80x128xf32, #tpu.memory_space<vmem>>
    %dma_start3A_66 = arith.constant 0 : i32
    %dma_start3A_67 = tpu.memref_slice %arg5[%dma_start3A_62, %dma_start3A_66] : memref<10x80xi32, #tpu.memory_space<vmem>> -> memref<1x80xi32, #tpu.memory_space<vmem>>
    %dma_start3A_68 = tpu.memref_squeeze %dma_start3A_67 : memref<1x80xi32, #tpu.memory_space<vmem>> -> memref<80xi32, #tpu.memory_space<vmem>>
    %dma_start3A_69 = arith.constant 0 : i32
    %dma_start3A_70 = arith.constant 0 : i32
    %dma_start3A_71 = tpu.memref_slice %arg3[%dma_start3A_69, %dma_start3A_70] : memref<100000x128xf32, #tpu.memory_space<hbm>> -> memref<100000x128xf32, #tpu.memory_space<hbm>>
    tpu.enqueue_indirect_dma source(%dma_start3A_71 : memref<100000x128xf32, #tpu.memory_space<hbm>>) target(%dma_start3A_65 : memref<80x128xf32, #tpu.memory_space<vmem>>) offsets(%dma_start3A_68 : memref<80xi32, #tpu.memory_space<vmem>>) semaphore(%arg7 : memref<!tpu.dma_semaphore, #tpu.memory_space<semaphore_mem>>)
    %dma_start3A_72 = arith.constant 7 : i32
    %dma_start3A_73 = arith.constant 560 : i32
    %dma_start3A_74 = arith.constant 0 : i32
    %dma_start3A_75 = tpu.memref_slice %arg6[%dma_start3A_73, %dma_start3A_74] : memref<800x128xf32, #tpu.memory_space<vmem>> -> memref<80x128xf32, #tpu.memory_space<vmem>>
    %dma_start3A_76 = arith.constant 0 : i32
    %dma_start3A_77 = tpu.memref_slice %arg5[%dma_start3A_72, %dma_start3A_76] : memref<10x80xi32, #tpu.memory_space<vmem>> -> memref<1x80xi32, #tpu.memory_space<vmem>>
    %dma_start3A_78 = tpu.memref_squeeze %dma_start3A_77 : memref<1x80xi32, #tpu.memory_space<vmem>> -> memref<80xi32, #tpu.memory_space<vmem>>
    %dma_start3A_79 = arith.constant 0 : i32
    %dma_start3A_80 = arith.constant 0 : i32
    %dma_start3A_81 = tpu.memref_slice %arg3[%dma_start3A_79, %dma_start3A_80] : memref<100000x128xf32, #tpu.memory_space<hbm>> -> memref<100000x128xf32, #tpu.memory_space<hbm>>
    tpu.enqueue_indirect_dma source(%dma_start3A_81 : memref<100000x128xf32, #tpu.memory_space<hbm>>) target(%dma_start3A_75 : memref<80x128xf32, #tpu.memory_space<vmem>>) offsets(%dma_start3A_78 : memref<80xi32, #tpu.memory_space<vmem>>) semaphore(%arg7 : memref<!tpu.dma_semaphore, #tpu.memory_space<semaphore_mem>>)
    %dma_start3A_82 = arith.constant 8 : i32
    %dma_start3A_83 = arith.constant 640 : i32
    %dma_start3A_84 = arith.constant 0 : i32
    %dma_start3A_85 = tpu.memref_slice %arg6[%dma_start3A_83, %dma_start3A_84] : memref<800x128xf32, #tpu.memory_space<vmem>> -> memref<80x128xf32, #tpu.memory_space<vmem>>
    %dma_start3A_86 = arith.constant 0 : i32
    %dma_start3A_87 = tpu.memref_slice %arg5[%dma_start3A_82, %dma_start3A_86] : memref<10x80xi32, #tpu.memory_space<vmem>> -> memref<1x80xi32, #tpu.memory_space<vmem>>
    %dma_start3A_88 = tpu.memref_squeeze %dma_start3A_87 : memref<1x80xi32, #tpu.memory_space<vmem>> -> memref<80xi32, #tpu.memory_space<vmem>>
    %dma_start3A_89 = arith.constant 0 : i32
    %dma_start3A_90 = arith.constant 0 : i32
    %dma_start3A_91 = tpu.memref_slice %arg3[%dma_start3A_89, %dma_start3A_90] : memref<100000x128xf32, #tpu.memory_space<hbm>> -> memref<100000x128xf32, #tpu.memory_space<hbm>>
    tpu.enqueue_indirect_dma source(%dma_start3A_91 : memref<100000x128xf32, #tpu.memory_space<hbm>>) target(%dma_start3A_85 : memref<80x128xf32, #tpu.memory_space<vmem>>) offsets(%dma_start3A_88 : memref<80xi32, #tpu.memory_space<vmem>>) semaphore(%arg7 : memref<!tpu.dma_semaphore, #tpu.memory_space<semaphore_mem>>)
    %dma_start3A_92 = arith.constant 9 : i32
    %dma_start3A_93 = arith.constant 720 : i32
    %dma_start3A_94 = arith.constant 0 : i32
    %dma_start3A_95 = tpu.memref_slice %arg6[%dma_start3A_93, %dma_start3A_94] : memref<800x128xf32, #tpu.memory_space<vmem>> -> memref<80x128xf32, #tpu.memory_space<vmem>>
    %dma_start3A_96 = arith.constant 0 : i32
    %dma_start3A_97 = tpu.memref_slice %arg5[%dma_start3A_92, %dma_start3A_96] : memref<10x80xi32, #tpu.memory_space<vmem>> -> memref<1x80xi32, #tpu.memory_space<vmem>>
    %dma_start3A_98 = tpu.memref_squeeze %dma_start3A_97 : memref<1x80xi32, #tpu.memory_space<vmem>> -> memref<80xi32, #tpu.memory_space<vmem>>
    %dma_start3A_99 = arith.constant 0 : i32
    %dma_start3A_100 = arith.constant 0 : i32
    %dma_start3A_101 = tpu.memref_slice %arg3[%dma_start3A_99, %dma_start3A_100] : memref<100000x128xf32, #tpu.memory_space<hbm>> -> memref<100000x128xf32, #tpu.memory_space<hbm>>
    tpu.enqueue_indirect_dma source(%dma_start3A_101 : memref<100000x128xf32, #tpu.memory_space<hbm>>) target(%dma_start3A_95 : memref<80x128xf32, #tpu.memory_space<vmem>>) offsets(%dma_start3A_98 : memref<80xi32, #tpu.memory_space<vmem>>) semaphore(%arg7 : memref<!tpu.dma_semaphore, #tpu.memory_space<semaphore_mem>>)
    %dma_wait3A = arith.constant 0 : i32
    %dma_wait3A_102 = arith.constant 0 : i32
    %dma_wait3A_103 = arith.constant 0 : i32
    %dma_wait3A_104 = tpu.memref_slice %arg6[%dma_wait3A_102, %dma_wait3A_103] : memref<800x128xf32, #tpu.memory_space<vmem>> -> memref<80x128xf32, #tpu.memory_space<vmem>>
    %dma_wait3A_105 = arith.constant 0 : i32
    %dma_wait3A_106 = tpu.memref_slice %arg5[%dma_wait3A, %dma_wait3A_105] : memref<10x80xi32, #tpu.memory_space<vmem>> -> memref<1x80xi32, #tpu.memory_space<vmem>>
    %dma_wait3A_107 = tpu.memref_squeeze %dma_wait3A_106 : memref<1x80xi32, #tpu.memory_space<vmem>> -> memref<80xi32, #tpu.memory_space<vmem>>
    %dma_wait3A_108 = arith.constant 0 : i32
    %dma_wait3A_109 = arith.constant 0 : i32
    %dma_wait3A_110 = tpu.memref_slice %arg3[%dma_wait3A_108, %dma_wait3A_109] : memref<100000x128xf32, #tpu.memory_space<hbm>> -> memref<100000x128xf32, #tpu.memory_space<hbm>>
    tpu.wait_indirect_dma semaphore(%arg7 : memref<!tpu.dma_semaphore, #tpu.memory_space<semaphore_mem>>) src(%dma_wait3A_110 : memref<100000x128xf32, #tpu.memory_space<hbm>>) dst(%dma_wait3A_104 : memref<80x128xf32, #tpu.memory_space<vmem>>)
    %dma_wait3A_111 = arith.constant 1 : i32
    %dma_wait3A_112 = arith.constant 80 : i32
    %dma_wait3A_113 = arith.constant 0 : i32
    %dma_wait3A_114 = tpu.memref_slice %arg6[%dma_wait3A_112, %dma_wait3A_113] : memref<800x128xf32, #tpu.memory_space<vmem>> -> memref<80x128xf32, #tpu.memory_space<vmem>>
    %dma_wait3A_115 = arith.constant 0 : i32
    %dma_wait3A_116 = tpu.memref_slice %arg5[%dma_wait3A_111, %dma_wait3A_115] : memref<10x80xi32, #tpu.memory_space<vmem>> -> memref<1x80xi32, #tpu.memory_space<vmem>>
    %dma_wait3A_117 = tpu.memref_squeeze %dma_wait3A_116 : memref<1x80xi32, #tpu.memory_space<vmem>> -> memref<80xi32, #tpu.memory_space<vmem>>
    %dma_wait3A_118 = arith.constant 0 : i32
    %dma_wait3A_119 = arith.constant 0 : i32
    %dma_wait3A_120 = tpu.memref_slice %arg3[%dma_wait3A_118, %dma_wait3A_119] : memref<100000x128xf32, #tpu.memory_space<hbm>> -> memref<100000x128xf32, #tpu.memory_space<hbm>>
    tpu.wait_indirect_dma semaphore(%arg7 : memref<!tpu.dma_semaphore, #tpu.memory_space<semaphore_mem>>) src(%dma_wait3A_120 : memref<100000x128xf32, #tpu.memory_space<hbm>>) dst(%dma_wait3A_114 : memref<80x128xf32, #tpu.memory_space<vmem>>)
    %dma_wait3A_121 = arith.constant 2 : i32
    %dma_wait3A_122 = arith.constant 160 : i32
    %dma_wait3A_123 = arith.constant 0 : i32
    %dma_wait3A_124 = tpu.memref_slice %arg6[%dma_wait3A_122, %dma_wait3A_123] : memref<800x128xf32, #tpu.memory_space<vmem>> -> memref<80x128xf32, #tpu.memory_space<vmem>>
    %dma_wait3A_125 = arith.constant 0 : i32
    %dma_wait3A_126 = tpu.memref_slice %arg5[%dma_wait3A_121, %dma_wait3A_125] : memref<10x80xi32, #tpu.memory_space<vmem>> -> memref<1x80xi32, #tpu.memory_space<vmem>>
    %dma_wait3A_127 = tpu.memref_squeeze %dma_wait3A_126 : memref<1x80xi32, #tpu.memory_space<vmem>> -> memref<80xi32, #tpu.memory_space<vmem>>
    %dma_wait3A_128 = arith.constant 0 : i32
    %dma_wait3A_129 = arith.constant 0 : i32
    %dma_wait3A_130 = tpu.memref_slice %arg3[%dma_wait3A_128, %dma_wait3A_129] : memref<100000x128xf32, #tpu.memory_space<hbm>> -> memref<100000x128xf32, #tpu.memory_space<hbm>>
    tpu.wait_indirect_dma semaphore(%arg7 : memref<!tpu.dma_semaphore, #tpu.memory_space<semaphore_mem>>) src(%dma_wait3A_130 : memref<100000x128xf32, #tpu.memory_space<hbm>>) dst(%dma_wait3A_124 : memref<80x128xf32, #tpu.memory_space<vmem>>)
    %dma_wait3A_131 = arith.constant 3 : i32
    %dma_wait3A_132 = arith.constant 240 : i32
    %dma_wait3A_133 = arith.constant 0 : i32
    %dma_wait3A_134 = tpu.memref_slice %arg6[%dma_wait3A_132, %dma_wait3A_133] : memref<800x128xf32, #tpu.memory_space<vmem>> -> memref<80x128xf32, #tpu.memory_space<vmem>>
    %dma_wait3A_135 = arith.constant 0 : i32
    %dma_wait3A_136 = tpu.memref_slice %arg5[%dma_wait3A_131, %dma_wait3A_135] : memref<10x80xi32, #tpu.memory_space<vmem>> -> memref<1x80xi32, #tpu.memory_space<vmem>>
    %dma_wait3A_137 = tpu.memref_squeeze %dma_wait3A_136 : memref<1x80xi32, #tpu.memory_space<vmem>> -> memref<80xi32, #tpu.memory_space<vmem>>
    %dma_wait3A_138 = arith.constant 0 : i32
    %dma_wait3A_139 = arith.constant 0 : i32
    %dma_wait3A_140 = tpu.memref_slice %arg3[%dma_wait3A_138, %dma_wait3A_139] : memref<100000x128xf32, #tpu.memory_space<hbm>> -> memref<100000x128xf32, #tpu.memory_space<hbm>>
    tpu.wait_indirect_dma semaphore(%arg7 : memref<!tpu.dma_semaphore, #tpu.memory_space<semaphore_mem>>) src(%dma_wait3A_140 : memref<100000x128xf32, #tpu.memory_space<hbm>>) dst(%dma_wait3A_134 : memref<80x128xf32, #tpu.memory_space<vmem>>)
    %dma_wait3A_141 = arith.constant 4 : i32
    %dma_wait3A_142 = arith.constant 320 : i32
    %dma_wait3A_143 = arith.constant 0 : i32
    %dma_wait3A_144 = tpu.memref_slice %arg6[%dma_wait3A_142, %dma_wait3A_143] : memref<800x128xf32, #tpu.memory_space<vmem>> -> memref<80x128xf32, #tpu.memory_space<vmem>>
    %dma_wait3A_145 = arith.constant 0 : i32
    %dma_wait3A_146 = tpu.memref_slice %arg5[%dma_wait3A_141, %dma_wait3A_145] : memref<10x80xi32, #tpu.memory_space<vmem>> -> memref<1x80xi32, #tpu.memory_space<vmem>>
    %dma_wait3A_147 = tpu.memref_squeeze %dma_wait3A_146 : memref<1x80xi32, #tpu.memory_space<vmem>> -> memref<80xi32, #tpu.memory_space<vmem>>
    %dma_wait3A_148 = arith.constant 0 : i32
    %dma_wait3A_149 = arith.constant 0 : i32
    %dma_wait3A_150 = tpu.memref_slice %arg3[%dma_wait3A_148, %dma_wait3A_149] : memref<100000x128xf32, #tpu.memory_space<hbm>> -> memref<100000x128xf32, #tpu.memory_space<hbm>>
    tpu.wait_indirect_dma semaphore(%arg7 : memref<!tpu.dma_semaphore, #tpu.memory_space<semaphore_mem>>) src(%dma_wait3A_150 : memref<100000x128xf32, #tpu.memory_space<hbm>>) dst(%dma_wait3A_144 : memref<80x128xf32, #tpu.memory_space<vmem>>)
    %dma_wait3A_151 = arith.constant 5 : i32
    %dma_wait3A_152 = arith.constant 400 : i32
    %dma_wait3A_153 = arith.constant 0 : i32
    %dma_wait3A_154 = tpu.memref_slice %arg6[%dma_wait3A_152, %dma_wait3A_153] : memref<800x128xf32, #tpu.memory_space<vmem>> -> memref<80x128xf32, #tpu.memory_space<vmem>>
    %dma_wait3A_155 = arith.constant 0 : i32
    %dma_wait3A_156 = tpu.memref_slice %arg5[%dma_wait3A_151, %dma_wait3A_155] : memref<10x80xi32, #tpu.memory_space<vmem>> -> memref<1x80xi32, #tpu.memory_space<vmem>>
    %dma_wait3A_157 = tpu.memref_squeeze %dma_wait3A_156 : memref<1x80xi32, #tpu.memory_space<vmem>> -> memref<80xi32, #tpu.memory_space<vmem>>
    %dma_wait3A_158 = arith.constant 0 : i32
    %dma_wait3A_159 = arith.constant 0 : i32
    %dma_wait3A_160 = tpu.memref_slice %arg3[%dma_wait3A_158, %dma_wait3A_159] : memref<100000x128xf32, #tpu.memory_space<hbm>> -> memref<100000x128xf32, #tpu.memory_space<hbm>>
    tpu.wait_indirect_dma semaphore(%arg7 : memref<!tpu.dma_semaphore, #tpu.memory_space<semaphore_mem>>) src(%dma_wait3A_160 : memref<100000x128xf32, #tpu.memory_space<hbm>>) dst(%dma_wait3A_154 : memref<80x128xf32, #tpu.memory_space<vmem>>)
    %dma_wait3A_161 = arith.constant 6 : i32
    %dma_wait3A_162 = arith.constant 480 : i32
    %dma_wait3A_163 = arith.constant 0 : i32
    %dma_wait3A_164 = tpu.memref_slice %arg6[%dma_wait3A_162, %dma_wait3A_163] : memref<800x128xf32, #tpu.memory_space<vmem>> -> memref<80x128xf32, #tpu.memory_space<vmem>>
    %dma_wait3A_165 = arith.constant 0 : i32
    %dma_wait3A_166 = tpu.memref_slice %arg5[%dma_wait3A_161, %dma_wait3A_165] : memref<10x80xi32, #tpu.memory_space<vmem>> -> memref<1x80xi32, #tpu.memory_space<vmem>>
    %dma_wait3A_167 = tpu.memref_squeeze %dma_wait3A_166 : memref<1x80xi32, #tpu.memory_space<vmem>> -> memref<80xi32, #tpu.memory_space<vmem>>
    %dma_wait3A_168 = arith.constant 0 : i32
    %dma_wait3A_169 = arith.constant 0 : i32
    %dma_wait3A_170 = tpu.memref_slice %arg3[%dma_wait3A_168, %dma_wait3A_169] : memref<100000x128xf32, #tpu.memory_space<hbm>> -> memref<100000x128xf32, #tpu.memory_space<hbm>>
    tpu.wait_indirect_dma semaphore(%arg7 : memref<!tpu.dma_semaphore, #tpu.memory_space<semaphore_mem>>) src(%dma_wait3A_170 : memref<100000x128xf32, #tpu.memory_space<hbm>>) dst(%dma_wait3A_164 : memref<80x128xf32, #tpu.memory_space<vmem>>)
    %dma_wait3A_171 = arith.constant 7 : i32
    %dma_wait3A_172 = arith.constant 560 : i32
    %dma_wait3A_173 = arith.constant 0 : i32
    %dma_wait3A_174 = tpu.memref_slice %arg6[%dma_wait3A_172, %dma_wait3A_173] : memref<800x128xf32, #tpu.memory_space<vmem>> -> memref<80x128xf32, #tpu.memory_space<vmem>>
    %dma_wait3A_175 = arith.constant 0 : i32
    %dma_wait3A_176 = tpu.memref_slice %arg5[%dma_wait3A_171, %dma_wait3A_175] : memref<10x80xi32, #tpu.memory_space<vmem>> -> memref<1x80xi32, #tpu.memory_space<vmem>>
    %dma_wait3A_177 = tpu.memref_squeeze %dma_wait3A_176 : memref<1x80xi32, #tpu.memory_space<vmem>> -> memref<80xi32, #tpu.memory_space<vmem>>
    %dma_wait3A_178 = arith.constant 0 : i32
    %dma_wait3A_179 = arith.constant 0 : i32
    %dma_wait3A_180 = tpu.memref_slice %arg3[%dma_wait3A_178, %dma_wait3A_179] : memref<100000x128xf32, #tpu.memory_space<hbm>> -> memref<100000x128xf32, #tpu.memory_space<hbm>>
    tpu.wait_indirect_dma semaphore(%arg7 : memref<!tpu.dma_semaphore, #tpu.memory_space<semaphore_mem>>) src(%dma_wait3A_180 : memref<100000x128xf32, #tpu.memory_space<hbm>>) dst(%dma_wait3A_174 : memref<80x128xf32, #tpu.memory_space<vmem>>)
    %dma_wait3A_181 = arith.constant 8 : i32
    %dma_wait3A_182 = arith.constant 640 : i32
    %dma_wait3A_183 = arith.constant 0 : i32
    %dma_wait3A_184 = tpu.memref_slice %arg6[%dma_wait3A_182, %dma_wait3A_183] : memref<800x128xf32, #tpu.memory_space<vmem>> -> memref<80x128xf32, #tpu.memory_space<vmem>>
    %dma_wait3A_185 = arith.constant 0 : i32
    %dma_wait3A_186 = tpu.memref_slice %arg5[%dma_wait3A_181, %dma_wait3A_185] : memref<10x80xi32, #tpu.memory_space<vmem>> -> memref<1x80xi32, #tpu.memory_space<vmem>>
    %dma_wait3A_187 = tpu.memref_squeeze %dma_wait3A_186 : memref<1x80xi32, #tpu.memory_space<vmem>> -> memref<80xi32, #tpu.memory_space<vmem>>
    %dma_wait3A_188 = arith.constant 0 : i32
    %dma_wait3A_189 = arith.constant 0 : i32
    %dma_wait3A_190 = tpu.memref_slice %arg3[%dma_wait3A_188, %dma_wait3A_189] : memref<100000x128xf32, #tpu.memory_space<hbm>> -> memref<100000x128xf32, #tpu.memory_space<hbm>>
    tpu.wait_indirect_dma semaphore(%arg7 : memref<!tpu.dma_semaphore, #tpu.memory_space<semaphore_mem>>) src(%dma_wait3A_190 : memref<100000x128xf32, #tpu.memory_space<hbm>>) dst(%dma_wait3A_184 : memref<80x128xf32, #tpu.memory_space<vmem>>)
    %dma_wait3A_191 = arith.constant 9 : i32
    %dma_wait3A_192 = arith.constant 720 : i32
    %dma_wait3A_193 = arith.constant 0 : i32
    %dma_wait3A_194 = tpu.memref_slice %arg6[%dma_wait3A_192, %dma_wait3A_193] : memref<800x128xf32, #tpu.memory_space<vmem>> -> memref<80x128xf32, #tpu.memory_space<vmem>>
    %dma_wait3A_195 = arith.constant 0 : i32
    %dma_wait3A_196 = tpu.memref_slice %arg5[%dma_wait3A_191, %dma_wait3A_195] : memref<10x80xi32, #tpu.memory_space<vmem>> -> memref<1x80xi32, #tpu.memory_space<vmem>>
    %dma_wait3A_197 = tpu.memref_squeeze %dma_wait3A_196 : memref<1x80xi32, #tpu.memory_space<vmem>> -> memref<80xi32, #tpu.memory_space<vmem>>
    %dma_wait3A_198 = arith.constant 0 : i32
    %dma_wait3A_199 = arith.constant 0 : i32
    %dma_wait3A_200 = tpu.memref_slice %arg3[%dma_wait3A_198, %dma_wait3A_199] : memref<100000x128xf32, #tpu.memory_space<hbm>> -> memref<100000x128xf32, #tpu.memory_space<hbm>>
    tpu.wait_indirect_dma semaphore(%arg7 : memref<!tpu.dma_semaphore, #tpu.memory_space<semaphore_mem>>) src(%dma_wait3A_200 : memref<100000x128xf32, #tpu.memory_space<hbm>>) dst(%dma_wait3A_194 : memref<80x128xf32, #tpu.memory_space<vmem>>)
    "tpu.region"() ({
      %run_scoped3A = tpu.sem_alloc : memref<!tpu.dma_semaphore, #tpu.memory_space<semaphore_mem>>
      %dma_start3A_201 = arith.constant 0 : i32
      %dma_start3A_202 = tpu.memref_slice %arg4[%mul3A_2, %dma_start3A_201] : memref<25600x128xf32, #tpu.memory_space<hbm>> -> memref<800x128xf32, #tpu.memory_space<hbm>>
      %dma_start3A_203 = arith.constant 0 : i32
      %dma_start3A_204 = tpu.memref_slice %arg4[%mul3A_2, %dma_start3A_203] : memref<25600x128xf32, #tpu.memory_space<hbm>> -> memref<800x128xf32, #tpu.memory_space<hbm>>
      tpu.enqueue_dma source(%arg6 : memref<800x128xf32, #tpu.memory_space<vmem>>) target(%dma_start3A_204 : memref<800x128xf32, #tpu.memory_space<hbm>>) target_semaphore(%run_scoped3A : memref<!tpu.dma_semaphore, #tpu.memory_space<semaphore_mem>>)
      %dma_wait3A_205 = arith.constant 0 : i32
      %dma_wait3A_206 = tpu.memref_slice %arg4[%mul3A_2, %dma_wait3A_205] : memref<25600x128xf32, #tpu.memory_space<hbm>> -> memref<800x128xf32, #tpu.memory_space<hbm>>
      %dma_wait3A_207 = arith.constant 0 : i32
      %dma_wait3A_208 = tpu.memref_slice %arg4[%mul3A_2, %dma_wait3A_207] : memref<25600x128xf32, #tpu.memory_space<hbm>> -> memref<800x128xf32, #tpu.memory_space<hbm>>
      tpu.wait_dma2 semaphore(%run_scoped3A : memref<!tpu.dma_semaphore, #tpu.memory_space<semaphore_mem>>) src(%arg6 : memref<800x128xf32, #tpu.memory_space<vmem>>) dst(%dma_wait3A_208 : memref<800x128xf32, #tpu.memory_space<hbm>>)
      tpu.yield
    }) : () -> ()
    return
  }
}

module attributes {stable_mosaic.version = 14 : i64} {
  func.func @_enc_body(%arg0: i32, %arg1: memref<16x200x128xf32, #tpu.memory_space<vmem>>, %arg2: memref<128x128xf32, #tpu.memory_space<vmem>>, %arg3: memref<1x128xf32, #tpu.memory_space<vmem>>, %arg4: memref<16x128xf32, #tpu.memory_space<vmem>>) attributes {dimension_semantics = [#tpu.dimension_semantics<arbitrary>], iteration_bounds = array<i64: 8>, scalar_prefetch = 0 : i64, scratch_operands = 0 : i64, tpu.core_type = #tpu.core_type<tc>, window_params = [{transform_indices = @transform_0, window_bounds = array<i64: 16, 200, 128>}, {pipeline_mode = #tpu.pipeline_mode<synchronous>, transform_indices = @transform_1, window_bounds = array<i64: 128, 128>}, {pipeline_mode = #tpu.pipeline_mode<synchronous>, transform_indices = @transform_2, window_bounds = array<i64: 1, 128>}, {transform_indices = @transform_3, window_bounds = array<i64: 16, 128>}]} {
    %get3A = arith.constant 0 : index
    %get3A_0 = arith.constant 0 : index
    %get3A_1 = arith.constant 0 : index
    %get3A_2 = vector.load %arg1[%get3A, %get3A_0, %get3A_1] : memref<16x200x128xf32, #tpu.memory_space<vmem>>, vector<16x200x128xf32>
    %reshape3A = vector.shape_cast %get3A_2 : vector<16x200x128xf32> to vector<3200x128xf32>
    %get3A_3 = arith.constant 0 : index
    %get3A_4 = arith.constant 0 : index
    %get3A_5 = vector.load %arg2[%get3A_3, %get3A_4] : memref<128x128xf32, #tpu.memory_space<vmem>>, vector<128x128xf32>
    %dot_general3A = arith.constant dense<0.000000e+00> : vector<3200x128xf32>
    %dot_general3A_6 = tpu.matmul %reshape3A, %get3A_5, %dot_general3A {dimension_numbers = #tpu.dot_dimension_numbers<[1], [0], [0], [1], [0, 0, 1, 1], [], []>, transpose_lhs_hint = false} : vector<3200x128xf32>, vector<128x128xf32>, vector<3200x128xf32> -> vector<3200x128xf32>
    %get3A_7 = arith.constant 0 : index
    %get3A_8 = arith.constant 0 : index
    %get3A_9 = vector.load %arg3[%get3A_7, %get3A_8] : memref<1x128xf32, #tpu.memory_space<vmem>>, vector<1x128xf32>
    %add3A = vector.broadcast %get3A_9 : vector<1x128xf32> to vector<3200x128xf32>
    %add3A_10 = arith.addf %dot_general3A_6, %add3A : vector<3200x128xf32>
    %tanh3A = math.tanh %add3A_10 : vector<3200x128xf32>
    %reshape3A_11 = vector.shape_cast %tanh3A : vector<3200x128xf32> to vector<16x200x128xf32>
    %reduce_sum3A = arith.constant dense<0.000000e+00> : vector<16x128xf32>
    %reduce_sum3A_12 = vector.multi_reduction <add>, %reshape3A_11, %reduce_sum3A [1] : vector<16x200x128xf32> to vector<16x128xf32>
    %div3A = arith.constant 2.000000e+02 : f32
    %div3A_13 = vector.broadcast %div3A : f32 to vector<16x128xf32>
    %div3A_14 = arith.divf %reduce_sum3A_12, %div3A_13 : vector<16x128xf32>
    %mul3A = arith.mulf %div3A_14, %div3A_14 : vector<16x128xf32>
    %reduce_sum3A_15 = arith.constant dense<0.000000e+00> : vector<16xf32>
    %reduce_sum3A_16 = vector.multi_reduction <add>, %mul3A, %reduce_sum3A_15 [1] : vector<16x128xf32> to vector<16xf32>
    %broadcast_in_dim3A = vector.shape_cast %reduce_sum3A_16 : vector<16xf32> to vector<16x1xf32>
    %sqrt3A = math.sqrt %broadcast_in_dim3A : vector<16x1xf32>
    %jit3A = arith.constant 9.99999996E-13 : f32
    %max3A = vector.broadcast %jit3A : f32 to vector<16x1xf32>
    %max3A_17 = arith.maximumf %max3A, %sqrt3A : vector<16x1xf32>
    %div3A_18 = vector.broadcast %max3A_17 : vector<16x1xf32> to vector<16x128xf32>
    %div3A_19 = arith.divf %div3A_14, %div3A_18 : vector<16x128xf32>
    %swap3A = arith.constant 0 : index
    %swap3A_20 = arith.constant 0 : index
    %swap3A_21 = vector.load %arg4[%swap3A, %swap3A_20] : memref<16x128xf32, #tpu.memory_space<vmem>>, vector<16x128xf32>
    tpu.vector_store %arg4[%swap3A, %swap3A_20], %div3A_19 {strides = array<i32>} : memref<16x128xf32, #tpu.memory_space<vmem>>, vector<16x128xf32>,
    return
  }
  func.func @transform_0(%arg0: i32) -> (i32, i32, i32) {
    %c0_i32 = arith.constant 0 : i32
    %c0_i32_0 = arith.constant 0 : i32
    %c0_i32_1 = arith.constant 0 : i32
    return %arg0, %c0_i32, %c0_i32_0 : i32, i32, i32
  }
  func.func @transform_1(%arg0: i32) -> (i32, i32) {
    %c0_i32 = arith.constant 0 : i32
    %c0_i32_0 = arith.constant 0 : i32
    %c0_i32_1 = arith.constant 0 : i32
    return %c0_i32, %c0_i32_0 : i32, i32
  }
  func.func @transform_2(%arg0: i32) -> (i32, i32) {
    %c0_i32 = arith.constant 0 : i32
    %c0_i32_0 = arith.constant 0 : i32
    %c0_i32_1 = arith.constant 0 : i32
    return %c0_i32, %c0_i32_0 : i32, i32
  }
  func.func @transform_3(%arg0: i32) -> (i32, i32) {
    %c0_i32 = arith.constant 0 : i32
    %c0_i32_0 = arith.constant 0 : i32
    return %arg0, %c0_i32 : i32, i32
  }
}

module attributes {stable_mosaic.version = 14 : i64} {
  func.func @_scores_body(%arg0: i32, %arg1: memref<16384x128xf32, #tpu.memory_space<vmem>>, %arg2: memref<1x8x128xf32, #tpu.memory_space<vmem>>, %arg3: memref<1x1x16384xf32, #tpu.memory_space<vmem>>) attributes {dimension_semantics = [#tpu.dimension_semantics<arbitrary>], iteration_bounds = array<i64: 16>, scalar_prefetch = 0 : i64, scratch_operands = 0 : i64, tpu.core_type = #tpu.core_type<tc>, window_params = [{transform_indices = @transform_0, window_bounds = array<i64: 16384, 128>}, {transform_indices = @transform_1, window_bounds = array<i64: 1, 8, 128>}, {transform_indices = @transform_2, window_bounds = array<i64: 1, 1, 16384>}]} {
    %get3A = arith.constant 0 : index
    %get3A_0 = arith.constant 0 : index
    %get3A_1 = arith.constant 0 : index
    %get3A_2 = vector.load %arg2[%get3A, %get3A_0, %get3A_1] : memref<1x8x128xf32, #tpu.memory_space<vmem>>, vector<1x8x128xf32>
    %get3A_3 = vector.shape_cast %get3A_2 : vector<1x8x128xf32> to vector<8x128xf32>
    %convert_element_type3A = arith.truncf %get3A_3 : vector<8x128xf32> to vector<8x128xbf16>
    %broadcast_in_dim3A = arith.constant 1.000000e+00 : bf16
    %broadcast_in_dim3A_4 = vector.broadcast %broadcast_in_dim3A : bf16 to vector<1x128xbf16>
    %get3A_5 = arith.constant 0 : index
    %get3A_6 = arith.constant 0 : index
    %get3A_7 = vector.load %arg1[%get3A_5, %get3A_6] : memref<16384x128xf32, #tpu.memory_space<vmem>>, vector<2048x128xf32>
    %convert_element_type3A_8 = arith.truncf %get3A_7 : vector<2048x128xf32> to vector<2048x128xbf16>
    %slice3A = vector.extract_strided_slice %convert_element_type3A {offsets = [0, 0], sizes = [1, 128], strides = [1, 1]} : vector<8x128xbf16> to vector<1x128xbf16>
    %dot_general3A = arith.constant dense<0.000000e+00> : vector<1x2048xf32>
    %dot_general3A_9 = tpu.matmul %slice3A, %convert_element_type3A_8, %dot_general3A {dimension_numbers = #tpu.dot_dimension_numbers<[1], [1], [0], [0], [0, 0, 1, 0], [], []>, transpose_lhs_hint = false} : vector<1x128xbf16>, vector<2048x128xbf16>, vector<1x2048xf32> -> vector<1x2048xf32>
    %mul3A = arith.mulf %convert_element_type3A_8, %convert_element_type3A_8 : vector<2048x128xbf16>
    %dot_general3A_10 = arith.constant dense<0.000000e+00> : vector<1x2048xf32>
    %dot_general3A_11 = tpu.matmul %broadcast_in_dim3A_4, %mul3A, %dot_general3A_10 {dimension_numbers = #tpu.dot_dimension_numbers<[1], [1], [0], [0], [0, 0, 1, 0], [], []>, transpose_lhs_hint = false} : vector<1x128xbf16>, vector<2048x128xbf16>, vector<1x2048xf32> -> vector<1x2048xf32>
    %sqrt3A = math.sqrt %dot_general3A_11 : vector<1x2048xf32>
    %jit3A = arith.constant 9.99999996E-13 : f32
    %max3A = vector.broadcast %jit3A : f32 to vector<1x2048xf32>
    %max3A_12 = arith.maximumf %max3A, %sqrt3A : vector<1x2048xf32>
    %div3A = arith.divf %dot_general3A_9, %max3A_12 : vector<1x2048xf32>
    %get3A_13 = arith.constant 2048 : index
    %get3A_14 = arith.constant 0 : index
    %get3A_15 = vector.load %arg1[%get3A_13, %get3A_14] : memref<16384x128xf32, #tpu.memory_space<vmem>>, vector<2048x128xf32>
    %convert_element_type3A_16 = arith.truncf %get3A_15 : vector<2048x128xf32> to vector<2048x128xbf16>
    %slice3A_17 = vector.extract_strided_slice %convert_element_type3A {offsets = [1, 0], sizes = [1, 128], strides = [1, 1]} : vector<8x128xbf16> to vector<1x128xbf16>
    %dot_general3A_18 = arith.constant dense<0.000000e+00> : vector<1x2048xf32>
    %dot_general3A_19 = tpu.matmul %slice3A_17, %convert_element_type3A_16, %dot_general3A_18 {dimension_numbers = #tpu.dot_dimension_numbers<[1], [1], [0], [0], [0, 0, 1, 0], [], []>, transpose_lhs_hint = false} : vector<1x128xbf16>, vector<2048x128xbf16>, vector<1x2048xf32> -> vector<1x2048xf32>
    %mul3A_20 = arith.mulf %convert_element_type3A_16, %convert_element_type3A_16 : vector<2048x128xbf16>
    %dot_general3A_21 = arith.constant dense<0.000000e+00> : vector<1x2048xf32>
    %dot_general3A_22 = tpu.matmul %broadcast_in_dim3A_4, %mul3A_20, %dot_general3A_21 {dimension_numbers = #tpu.dot_dimension_numbers<[1], [1], [0], [0], [0, 0, 1, 0], [], []>, transpose_lhs_hint = false} : vector<1x128xbf16>, vector<2048x128xbf16>, vector<1x2048xf32> -> vector<1x2048xf32>
    %sqrt3A_23 = math.sqrt %dot_general3A_22 : vector<1x2048xf32>
    %jit3A_24 = arith.constant 9.99999996E-13 : f32
    %max3A_25 = vector.broadcast %jit3A_24 : f32 to vector<1x2048xf32>
    %max3A_26 = arith.maximumf %max3A_25, %sqrt3A_23 : vector<1x2048xf32>
    %div3A_27 = arith.divf %dot_general3A_19, %max3A_26 : vector<1x2048xf32>
    %get3A_28 = arith.constant 4096 : index
    %get3A_29 = arith.constant 0 : index
    %get3A_30 = vector.load %arg1[%get3A_28, %get3A_29] : memref<16384x128xf32, #tpu.memory_space<vmem>>, vector<2048x128xf32>
    %convert_element_type3A_31 = arith.truncf %get3A_30 : vector<2048x128xf32> to vector<2048x128xbf16>
    %slice3A_32 = vector.extract_strided_slice %convert_element_type3A {offsets = [2, 0], sizes = [1, 128], strides = [1, 1]} : vector<8x128xbf16> to vector<1x128xbf16>
    %dot_general3A_33 = arith.constant dense<0.000000e+00> : vector<1x2048xf32>
    %dot_general3A_34 = tpu.matmul %slice3A_32, %convert_element_type3A_31, %dot_general3A_33 {dimension_numbers = #tpu.dot_dimension_numbers<[1], [1], [0], [0], [0, 0, 1, 0], [], []>, transpose_lhs_hint = false} : vector<1x128xbf16>, vector<2048x128xbf16>, vector<1x2048xf32> -> vector<1x2048xf32>
    %mul3A_35 = arith.mulf %convert_element_type3A_31, %convert_element_type3A_31 : vector<2048x128xbf16>
    %dot_general3A_36 = arith.constant dense<0.000000e+00> : vector<1x2048xf32>
    %dot_general3A_37 = tpu.matmul %broadcast_in_dim3A_4, %mul3A_35, %dot_general3A_36 {dimension_numbers = #tpu.dot_dimension_numbers<[1], [1], [0], [0], [0, 0, 1, 0], [], []>, transpose_lhs_hint = false} : vector<1x128xbf16>, vector<2048x128xbf16>, vector<1x2048xf32> -> vector<1x2048xf32>
    %sqrt3A_38 = math.sqrt %dot_general3A_37 : vector<1x2048xf32>
    %jit3A_39 = arith.constant 9.99999996E-13 : f32
    %max3A_40 = vector.broadcast %jit3A_39 : f32 to vector<1x2048xf32>
    %max3A_41 = arith.maximumf %max3A_40, %sqrt3A_38 : vector<1x2048xf32>
    %div3A_42 = arith.divf %dot_general3A_34, %max3A_41 : vector<1x2048xf32>
    %get3A_43 = arith.constant 6144 : index
    %get3A_44 = arith.constant 0 : index
    %get3A_45 = vector.load %arg1[%get3A_43, %get3A_44] : memref<16384x128xf32, #tpu.memory_space<vmem>>, vector<2048x128xf32>
    %convert_element_type3A_46 = arith.truncf %get3A_45 : vector<2048x128xf32> to vector<2048x128xbf16>
    %slice3A_47 = vector.extract_strided_slice %convert_element_type3A {offsets = [3, 0], sizes = [1, 128], strides = [1, 1]} : vector<8x128xbf16> to vector<1x128xbf16>
    %dot_general3A_48 = arith.constant dense<0.000000e+00> : vector<1x2048xf32>
    %dot_general3A_49 = tpu.matmul %slice3A_47, %convert_element_type3A_46, %dot_general3A_48 {dimension_numbers = #tpu.dot_dimension_numbers<[1], [1], [0], [0], [0, 0, 1, 0], [], []>, transpose_lhs_hint = false} : vector<1x128xbf16>, vector<2048x128xbf16>, vector<1x2048xf32> -> vector<1x2048xf32>
    %mul3A_50 = arith.mulf %convert_element_type3A_46, %convert_element_type3A_46 : vector<2048x128xbf16>
    %dot_general3A_51 = arith.constant dense<0.000000e+00> : vector<1x2048xf32>
    %dot_general3A_52 = tpu.matmul %broadcast_in_dim3A_4, %mul3A_50, %dot_general3A_51 {dimension_numbers = #tpu.dot_dimension_numbers<[1], [1], [0], [0], [0, 0, 1, 0], [], []>, transpose_lhs_hint = false} : vector<1x128xbf16>, vector<2048x128xbf16>, vector<1x2048xf32> -> vector<1x2048xf32>
    %sqrt3A_53 = math.sqrt %dot_general3A_52 : vector<1x2048xf32>
    %jit3A_54 = arith.constant 9.99999996E-13 : f32
    %max3A_55 = vector.broadcast %jit3A_54 : f32 to vector<1x2048xf32>
    %max3A_56 = arith.maximumf %max3A_55, %sqrt3A_53 : vector<1x2048xf32>
    %div3A_57 = arith.divf %dot_general3A_49, %max3A_56 : vector<1x2048xf32>
    %get3A_58 = arith.constant 8192 : index
    %get3A_59 = arith.constant 0 : index
    %get3A_60 = vector.load %arg1[%get3A_58, %get3A_59] : memref<16384x128xf32, #tpu.memory_space<vmem>>, vector<2048x128xf32>
    %convert_element_type3A_61 = arith.truncf %get3A_60 : vector<2048x128xf32> to vector<2048x128xbf16>
    %slice3A_62 = vector.extract_strided_slice %convert_element_type3A {offsets = [4, 0], sizes = [1, 128], strides = [1, 1]} : vector<8x128xbf16> to vector<1x128xbf16>
    %dot_general3A_63 = arith.constant dense<0.000000e+00> : vector<1x2048xf32>
    %dot_general3A_64 = tpu.matmul %slice3A_62, %convert_element_type3A_61, %dot_general3A_63 {dimension_numbers = #tpu.dot_dimension_numbers<[1], [1], [0], [0], [0, 0, 1, 0], [], []>, transpose_lhs_hint = false} : vector<1x128xbf16>, vector<2048x128xbf16>, vector<1x2048xf32> -> vector<1x2048xf32>
    %mul3A_65 = arith.mulf %convert_element_type3A_61, %convert_element_type3A_61 : vector<2048x128xbf16>
    %dot_general3A_66 = arith.constant dense<0.000000e+00> : vector<1x2048xf32>
    %dot_general3A_67 = tpu.matmul %broadcast_in_dim3A_4, %mul3A_65, %dot_general3A_66 {dimension_numbers = #tpu.dot_dimension_numbers<[1], [1], [0], [0], [0, 0, 1, 0], [], []>, transpose_lhs_hint = false} : vector<1x128xbf16>, vector<2048x128xbf16>, vector<1x2048xf32> -> vector<1x2048xf32>
    %sqrt3A_68 = math.sqrt %dot_general3A_67 : vector<1x2048xf32>
    %jit3A_69 = arith.constant 9.99999996E-13 : f32
    %max3A_70 = vector.broadcast %jit3A_69 : f32 to vector<1x2048xf32>
    %max3A_71 = arith.maximumf %max3A_70, %sqrt3A_68 : vector<1x2048xf32>
    %div3A_72 = arith.divf %dot_general3A_64, %max3A_71 : vector<1x2048xf32>
    %get3A_73 = arith.constant 10240 : index
    %get3A_74 = arith.constant 0 : index
    %get3A_75 = vector.load %arg1[%get3A_73, %get3A_74] : memref<16384x128xf32, #tpu.memory_space<vmem>>, vector<2048x128xf32>
    %convert_element_type3A_76 = arith.truncf %get3A_75 : vector<2048x128xf32> to vector<2048x128xbf16>
    %slice3A_77 = vector.extract_strided_slice %convert_element_type3A {offsets = [5, 0], sizes = [1, 128], strides = [1, 1]} : vector<8x128xbf16> to vector<1x128xbf16>
    %dot_general3A_78 = arith.constant dense<0.000000e+00> : vector<1x2048xf32>
    %dot_general3A_79 = tpu.matmul %slice3A_77, %convert_element_type3A_76, %dot_general3A_78 {dimension_numbers = #tpu.dot_dimension_numbers<[1], [1], [0], [0], [0, 0, 1, 0], [], []>, transpose_lhs_hint = false} : vector<1x128xbf16>, vector<2048x128xbf16>, vector<1x2048xf32> -> vector<1x2048xf32>
    %mul3A_80 = arith.mulf %convert_element_type3A_76, %convert_element_type3A_76 : vector<2048x128xbf16>
    %dot_general3A_81 = arith.constant dense<0.000000e+00> : vector<1x2048xf32>
    %dot_general3A_82 = tpu.matmul %broadcast_in_dim3A_4, %mul3A_80, %dot_general3A_81 {dimension_numbers = #tpu.dot_dimension_numbers<[1], [1], [0], [0], [0, 0, 1, 0], [], []>, transpose_lhs_hint = false} : vector<1x128xbf16>, vector<2048x128xbf16>, vector<1x2048xf32> -> vector<1x2048xf32>
    %sqrt3A_83 = math.sqrt %dot_general3A_82 : vector<1x2048xf32>
    %jit3A_84 = arith.constant 9.99999996E-13 : f32
    %max3A_85 = vector.broadcast %jit3A_84 : f32 to vector<1x2048xf32>
    %max3A_86 = arith.maximumf %max3A_85, %sqrt3A_83 : vector<1x2048xf32>
    %div3A_87 = arith.divf %dot_general3A_79, %max3A_86 : vector<1x2048xf32>
    %get3A_88 = arith.constant 12288 : index
    %get3A_89 = arith.constant 0 : index
    %get3A_90 = vector.load %arg1[%get3A_88, %get3A_89] : memref<16384x128xf32, #tpu.memory_space<vmem>>, vector<2048x128xf32>
    %convert_element_type3A_91 = arith.truncf %get3A_90 : vector<2048x128xf32> to vector<2048x128xbf16>
    %slice3A_92 = vector.extract_strided_slice %convert_element_type3A {offsets = [6, 0], sizes = [1, 128], strides = [1, 1]} : vector<8x128xbf16> to vector<1x128xbf16>
    %dot_general3A_93 = arith.constant dense<0.000000e+00> : vector<1x2048xf32>
    %dot_general3A_94 = tpu.matmul %slice3A_92, %convert_element_type3A_91, %dot_general3A_93 {dimension_numbers = #tpu.dot_dimension_numbers<[1], [1], [0], [0], [0, 0, 1, 0], [], []>, transpose_lhs_hint = false} : vector<1x128xbf16>, vector<2048x128xbf16>, vector<1x2048xf32> -> vector<1x2048xf32>
    %mul3A_95 = arith.mulf %convert_element_type3A_91, %convert_element_type3A_91 : vector<2048x128xbf16>
    %dot_general3A_96 = arith.constant dense<0.000000e+00> : vector<1x2048xf32>
    %dot_general3A_97 = tpu.matmul %broadcast_in_dim3A_4, %mul3A_95, %dot_general3A_96 {dimension_numbers = #tpu.dot_dimension_numbers<[1], [1], [0], [0], [0, 0, 1, 0], [], []>, transpose_lhs_hint = false} : vector<1x128xbf16>, vector<2048x128xbf16>, vector<1x2048xf32> -> vector<1x2048xf32>
    %sqrt3A_98 = math.sqrt %dot_general3A_97 : vector<1x2048xf32>
    %jit3A_99 = arith.constant 9.99999996E-13 : f32
    %max3A_100 = vector.broadcast %jit3A_99 : f32 to vector<1x2048xf32>
    %max3A_101 = arith.maximumf %max3A_100, %sqrt3A_98 : vector<1x2048xf32>
    %div3A_102 = arith.divf %dot_general3A_94, %max3A_101 : vector<1x2048xf32>
    %get3A_103 = arith.constant 14336 : index
    %get3A_104 = arith.constant 0 : index
    %get3A_105 = vector.load %arg1[%get3A_103, %get3A_104] : memref<16384x128xf32, #tpu.memory_space<vmem>>, vector<2048x128xf32>
    %convert_element_type3A_106 = arith.truncf %get3A_105 : vector<2048x128xf32> to vector<2048x128xbf16>
    %slice3A_107 = vector.extract_strided_slice %convert_element_type3A {offsets = [7, 0], sizes = [1, 128], strides = [1, 1]} : vector<8x128xbf16> to vector<1x128xbf16>
    %dot_general3A_108 = arith.constant dense<0.000000e+00> : vector<1x2048xf32>
    %dot_general3A_109 = tpu.matmul %slice3A_107, %convert_element_type3A_106, %dot_general3A_108 {dimension_numbers = #tpu.dot_dimension_numbers<[1], [1], [0], [0], [0, 0, 1, 0], [], []>, transpose_lhs_hint = false} : vector<1x128xbf16>, vector<2048x128xbf16>, vector<1x2048xf32> -> vector<1x2048xf32>
    %mul3A_110 = arith.mulf %convert_element_type3A_106, %convert_element_type3A_106 : vector<2048x128xbf16>
    %dot_general3A_111 = arith.constant dense<0.000000e+00> : vector<1x2048xf32>
    %dot_general3A_112 = tpu.matmul %broadcast_in_dim3A_4, %mul3A_110, %dot_general3A_111 {dimension_numbers = #tpu.dot_dimension_numbers<[1], [1], [0], [0], [0, 0, 1, 0], [], []>, transpose_lhs_hint = false} : vector<1x128xbf16>, vector<2048x128xbf16>, vector<1x2048xf32> -> vector<1x2048xf32>
    %sqrt3A_113 = math.sqrt %dot_general3A_112 : vector<1x2048xf32>
    %jit3A_114 = arith.constant 9.99999996E-13 : f32
    %max3A_115 = vector.broadcast %jit3A_114 : f32 to vector<1x2048xf32>
    %max3A_116 = arith.maximumf %max3A_115, %sqrt3A_113 : vector<1x2048xf32>
    %div3A_117 = arith.divf %dot_general3A_109, %max3A_116 : vector<1x2048xf32>
    %concatenate3A = tpu.concatenate %div3A, %div3A_27, %div3A_42, %div3A_57, %div3A_72, %div3A_87, %div3A_102, %div3A_117 in 1 : vector<1x2048xf32>, vector<1x2048xf32>, vector<1x2048xf32>, vector<1x2048xf32>, vector<1x2048xf32>, vector<1x2048xf32>, vector<1x2048xf32>, vector<1x2048xf32> -> vector<1x16384xf32>
    %swap3A = arith.constant 0 : index
    %swap3A_118 = arith.constant 0 : index
    %swap3A_119 = arith.constant 0 : index
    %swap3A_120 = vector.load %arg3[%swap3A, %swap3A_118, %swap3A_119] : memref<1x1x16384xf32, #tpu.memory_space<vmem>>, vector<1x1x16384xf32>
    %swap3A_121 = vector.shape_cast %swap3A_120 : vector<1x1x16384xf32> to vector<1x16384xf32>
    %swap3A_122 = vector.shape_cast %concatenate3A : vector<1x16384xf32> to vector<1x1x16384xf32>
    tpu.vector_store %arg3[%swap3A, %swap3A_118, %swap3A_119], %swap3A_122 {strides = array<i32>} : memref<1x1x16384xf32, #tpu.memory_space<vmem>>, vector<1x1x16384xf32>,
    return
  }
  func.func @transform_0(%arg0: i32) -> (i32, i32) {
    %c0_i32 = arith.constant 0 : i32
    %c0_i32_0 = arith.constant 0 : i32
    return %arg0, %c0_i32 : i32, i32
  }
  func.func @transform_1(%arg0: i32) -> (i32, i32, i32) {
    %c0_i32 = arith.constant 0 : i32
    %c0_i32_0 = arith.constant 0 : i32
    %c0_i32_1 = arith.constant 0 : i32
    return %arg0, %c0_i32, %c0_i32_0 : i32, i32, i32
  }
  func.func @transform_2(%arg0: i32) -> (i32, i32, i32) {
    %c0_i32 = arith.constant 0 : i32
    %c0_i32_0 = arith.constant 0 : i32
    %c0_i32_1 = arith.constant 0 : i32
    return %arg0, %c0_i32, %c0_i32_0 : i32, i32, i32
  }
}

</mosaic_0001>

<sc_bundles>
// kernel: kernel.5.cloned.1.call-start
scs
__scs_entry_jumppad:
0x0: {  	(pc) =	sbr.rel $0x88, $3  }
0x1: {  	(tag) =	ssettag $0x0;
	lr =	simm.s32 $0x1  }
0x2: {  	[smem:$0x3F9C] =	sst lr;
	_ =	strace $0xD0000000  }
0x3: {  	_ = 	snop  }
0x4: {  	_ = 	snop  }
0x5: {  	_ = 	snop  }
0x6: {  	_ = 	snop  }
0x7: {  	_ = 	snop  }
__scs_overlays_trampoline_lowered:
0x8: {  	[smem:$0x3FAB] =	sst s0  }
0x9: {  	[smem:$0x3FAC] =	sst s1  }
0xa: {  	[smem:$0x3FAD] =	sst s2  }
0xb: {  	[smem:$0x3FAE] =	sst s3  }
0xc: {  	[smem:$0x3FAF] =	sst s4  }
0xd: {  	[smem:$0x3FB0] =	sst s5  }
0xe: {  	[smem:$0x3FB1] =	sst s6  }
0xf: {  	[smem:$0x3FB2] =	sst s7  }
0x10: {  	[smem:$0x3FB3] =	sst s8  }
0x11: {  	[smem:$0x3FB4] =	sst s9;
	s0 =	simm.s32 @!p0 $0x0  }
0x12: {  	s1 =	sld [smem:$0x3F9A];
	s0 =	simm.s32 @p0 $0x1  }
0x13: {  	[smem:$0x3FB5] =	sst s0;
	s0 =	simm.s32 @!p1 $0x0  }
0x14: {  	s2 =	sld [smem:$0x3F99];
	s0 =	simm.s32 @p1 $0x1  }
0x15: {  	[smem:$0x3FB6] =	sst s0;
	s0 =	simm.s32 @!p2 $0x0  }
0x16: {  	s3 =	sld [smem:$0x3FDB];
	s0 =	simm.s32 @p2 $0x1  }
0x17: {  	s4 =	simm.s32 $0x1BF5;
	[smem:$0x3FB8] =	sst s0  }
0x18: {  	s0 =	sld [smem:$0x3F9B];
	_ =	swait.ge [sflag:s4], $0x0  }
0x19: {  	s7 =	sld [smem:$0x3F9C]  }
0x1a: {  	s8 =	sadd.s32 $0xFFFFE003, lr  }
0x1b: {  	s9 =	sadd.s32 $0xFFFFFEF7, lr;
	s5 =	simm.s32 $0xFFFFFFFF;
	p2 =	slt.u32 s8, $0xFFFFF086  }
0x1c: {  	p1 =	slt.u32 s9, $0xF7A;
	s5 =	simm.s32 @!p2 $0x0  }
0x1d: {  	s5 =	simm.s32 @p1 $0x1;
	p0 =	seq.s32 s7, s2  }
0x1e: {  	s7 =	smul.u32 @!p0 $0xF7A, s2;
	p2 =	seq.s32 @!p0 s5, $0x0  }
0x1f: {  	s9 =	smul.u32 $0xF7A, s1;
	s8 =	simm.s32 @!p0 $0x1BF5;
	p2 =	por !p2, p0  }
0x20: {  	[sflag:s8] =	ssyncset.s32 @!p0 $0xFFFFF086;
	s6 =	sadd.s32 @!p0 s3, s7;
	s7 =	simm.s32 @!p0 $0x108  }
0x21: {  	s3 =	sadd.s32 s3, s9;
	s6 =	sadd.s32 @!p0 $0x88, s6;
	s7 =	simm.s32 @p2 $0x1082  }
0x22: {  	[simem:s7], [sflag:s8] =	dma.local @!p0 [hbm:s6], $0xF7A  }
0x23: {  	s9 =	sor.u32 $0xD0000000, s2;
	s6 =	simm.s32 $0x108;
	_ =	swait.ge @!p0 [sflag:s8], $0x0  }
0x24: {  	s3 =	sadd.s32 $0x88, s3;
	s6 =	simm.s32 @!p1 $0x1082;
	[sflag:s4] =	ssyncset.s32 $0xFFFFF086  }
0x25: {  	[simem:s6], [sflag:s4] =	dma.local [hbm:s3], $0xF7A  }
0x26: {  	[smem:$0x3F9C] =	sst s1;
	(tag) =	ssettag s2;
	_ =	strace s9  }
0x27: {  	s1 =	sld [smem:$0x3FAC]  }
0x28: {  	s2 =	sld [smem:$0x3FAD]  }
0x29: {  	s4 =	sld [smem:$0x3FAF]  }
0x2a: {  	p0 =	seq.s32 s5, $0x0;
	s5 =	sld [smem:$0x3FB0]  }
0x2b: {  	s6 =	sld [smem:$0x3FB1]  }
0x2c: {  	s7 =	sld [smem:$0x3FB2]  }
0x2d: {  	s3 =	simm.s32 $0x108;
	s8 =	sld [smem:$0x3FB3]  }
0x2e: {  	s3 =	simm.s32 @!p0 $0x1082;
	s9 =	sld [smem:$0x3FB4]  }
0x2f: {  	lr =	sadd.s32 s0, s3;
	s0 =	sld [smem:$0x3FAB]  }
0x30: {  	s3 =	sld [smem:$0x3FAE]  }
0x31: {  	[smem:$0x3FB7] =	sst s10  }
0x32: {  	s10 =	sld [smem:$0x3FB5];
	_ =	sdelay $0x3  }
0x33: {  	p0 =	seq.s32 s10, $0x1;
	s10 =	sld [smem:$0x3FB7];
	_ =	sdelay $0x3  }
0x34: {  	[smem:$0x3FB7] =	sst s10  }
0x35: {  	s10 =	sld [smem:$0x3FB6];
	_ =	sdelay $0x3  }
0x36: {  	p1 =	seq.s32 s10, $0x1;
	s10 =	sld [smem:$0x3FB7];
	_ =	sdelay $0x3  }
0x37: {  	[smem:$0x3FB7] =	sst s10  }
0x38: {  	s10 =	sld [smem:$0x3FB8]  }
0x39: {  	_ = 	snop;
	(pc) =	sbr.ind lr, $3  }
0x3a: {  	_ = 	snop  }
0x3b: {  	_ = 	snop  }
0x3c: {  	p2 =	seq.s32 s10, $0x1;
	s10 =	sld [smem:$0x3FB7]  }
0x3d: {  	_ =	shalt  }
0x3e: {  	_ =	shalt  }
0x3f: {  	_ =	shalt  }
0x40: {  	_ =	shalt  }
0x41: {  	_ =	shalt  }
0x42: {  	_ =	shalt  }
0x43: {  	_ =	shalt  }
0x44: {  	_ =	shalt  }
0x45: {  	_ =	shalt  }
0x46: {  	_ =	shalt  }
0x47: {  	_ =	shalt  }
0x48: {  	_ =	shalt  }
0x49: {  	_ =	shalt  }
0x4a: {  	_ =	shalt  }
0x4b: {  	_ =	shalt  }
0x4c: {  	_ =	shalt  }
0x4d: {  	_ =	shalt  }
0x4e: {  	_ =	shalt  }
0x4f: {  	_ =	shalt  }
0x50: {  	_ =	shalt  }
0x51: {  	_ =	shalt  }
0x52: {  	_ =	shalt  }
0x53: {  	_ =	shalt  }
0x54: {  	_ =	shalt  }
0x55: {  	_ =	shalt  }
0x56: {  	_ =	shalt  }
0x57: {  	_ =	shalt  }
0x58: {  	_ =	shalt  }
0x59: {  	_ =	shalt  }
0x5a: {  	_ =	shalt  }
0x5b: {  	_ =	shalt  }
0x5c: {  	_ =	shalt  }
0x5d: {  	_ =	shalt  }
0x5e: {  	_ =	shalt  }
0x5f: {  	_ =	shalt  }
0x60: {  	_ =	shalt  }
0x61: {  	_ =	shalt  }
0x62: {  	_ =	shalt  }
0x63: {  	_ =	shalt  }
0x64: {  	_ =	shalt  }
0x65: {  	_ =	shalt  }
0x66: {  	_ =	shalt  }
0x67: {  	_ =	shalt  }
0x68: {  	_ =	shalt  }
0x69: {  	_ =	shalt  }
0x6a: {  	_ =	shalt  }
0x6b: {  	_ =	shalt  }
0x6c: {  	_ =	shalt  }
0x6d: {  	_ =	shalt  }
0x6e: {  	_ =	shalt  }
0x6f: {  	_ =	shalt  }
0x70: {  	_ =	shalt  }
0x71: {  	_ =	shalt  }
0x72: {  	_ =	shalt  }
0x73: {  	_ =	shalt  }
0x74: {  	_ =	shalt  }
0x75: {  	_ =	shalt  }
0x76: {  	_ =	shalt  }
0x77: {  	_ =	shalt  }
0x78: {  	_ =	shalt  }
0x79: {  	_ =	shalt  }
0x7a: {  	_ =	shalt  }
0x7b: {  	_ =	shalt  }
0x7c: {  	_ =	shalt  }
0x7d: {  	_ =	shalt  }
0x7e: {  	_ =	shalt  }
0x7f: {  	_ =	shalt  }
0x80: {  	_ =	shalt  }
0x81: {  	_ =	shalt  }
0x82: {  	_ =	shalt  }
0x83: {  	_ =	shalt  }
0x84: {  	_ =	shalt  }
0x85: {  	_ =	shalt  }
0x86: {  	_ =	shalt  }
0x87: {  	_ =	shalt  }
.Lfunc_end0:
.L_simem_size_0:
called_computation_lowered:
.L_overlay_start_0:
0x88: {  	s2 =	sld [smem:$0x3FD9]  }
0x89: {  	s3 =	sld [smem:$0x3FFE];
	_ =	sdelay $0x1  }
0x8a: {  	s1 =	srdreg.scid  }
0x8b: {  	s0 =	sand.u32 $0x1, s1  }
0x8c: {  	s17 =	sshll.u32 s0, $0xA;
	s2 =	sadd.s32 s3, s2  }
0x8d: {  	s2 =	sadd.s32 s2, s17  }
0x8e: {  	[smem:$0x3FC3] =	sst s2  }
0x8f: {  	_ = 	snop  }
0x90: {  	s2 =	sld [smem:$0x3FC7]  }
0x91: {  	s18 =	sld [smem:$0x3FD0];
	(tm) =	ssettm $0x1  }
0x92: {  	s4 =	sld [smem:$0x3FFB];
	_ =	sdelay $0x3  }
0x93: {  	_ =	strace s4  }
0x94: {  	s4 =	sld [smem:$0x3FFC];
	_ =	sdelay $0x3  }
0x95: {  	_ =	strace s4  }
0x96: {  	s4 =	sld [smem:$0x3FFD];
	_ =	sdelay $0x3  }
0x97: {  	_ =	strace s4  }
0x98: {  	_ =	strace $0x8FFFFFFF  }
0x99: {  	s19 =	sld [smem:$0x3FDB];
	_ =	sdelay $0x1  }
0x9a: {  	s5 =	simm.s32 $_scs_section_size  }
0x9b: {  	s6 =	simm.s32 $_size__tile_overlayer_lowered;
	s7 =	simm.s32 $_tile_overlayer_lowered  }
0x9c: {  	s22 =	simm.s32 $0x1BFF;
	s21 =	sshll.u32 s7, $0x1;
	s4 =	sadd.s32 s5, s19  }
0x9d: {  	s8 =	simm.s32 $0x0;
	s20 =	sshll.u32 s6, $0x1;
	s6 =	sadd.s32 s21, s4  }
0x9e: {  	[timem:s8], [sflag:s22] =	dma.local [hbm:s6], s20  }
0x9f: {  	_ =	swait.ge [sflag:s22], s20  }
0xa0: {  	s5 =	ssub.s32 $0x0, s20;
	[sflag:s22] =	ssyncset.done $0x0  }
0xa1: {  	[sflag:s22] =	ssyncadd.s32 s5;
	_ =	sdelay $0x1  }
0xa2: {  	s23 =	simm.s32 $0x1B8B  }
0xa3: {  	_ =	swait.ge [sflag:s23], $0x1  }
0xa4: {  	[sflag:s23] =	ssyncset.done $0x0  }
0xa5: {  	s25 =	simm.s32 $0x1B8E;
	s24 =	sld [smem:$0x3FFE];
	[sflag:s23] =	ssyncadd.s32 $0xFFFFFFFF  }
0xa6: {  	s26 =	simm.s32 $execute0_lowered;
	[smem:$0x3FD2] =	sst s25  }
0xa7: {  	s6 =	sshll.u32 s26, $0x1;
	_ =	strace $0x80000046;
	[dreg:$0x1] =	wrdreg $0xFFFFFFFF  }
0xa8: {  	s28 =	simm.s32 $_size_execute0_lowered;
	s4 =	sadd.s32 s4, s6;
	[dreg:$0x0] =	wrdreg $0x0  }
0xa9: {  	s6 =	sshll.u32 s28, $0x1;
	[dreg:$0x2] =	wrdreg s4  }
0xaa: {  	[dreg:$0x3] =	wrdreg s6  }
0xab: {  	[dreg:$0x4] =	wrdreg $0xC0  }
0xac: {  	_ =	task [dreg:s8], $0x5FFFF  }
0xad: {  	[dreg:$0x1] =	wrdreg $0xFFFFFFFF  }
0xae: {  	[dreg:$0x0] =	wrdreg $0x60  }
0xaf: {  	[dreg:$0x2] =	wrdreg s18  }
0xb0: {  	[dreg:$0x3] =	wrdreg s2  }
0xb1: {  	[dreg:$0x4] =	wrdreg s24  }
0xb2: {  	[dreg:$0x5] =	wrdreg $0x9  }
0xb3: {  	_ =	task.clear_ibuf [dreg:s8], $0x6FFFF;
	_ =	strace $0x90000046  }
0xb4: {  	s29 =	simm.s32 $0x9;
	_ =	strace $0x80000048  }
0xb5: {  	_ =	swait.ge [sflag:s29], $0x1  }
0xb6: {  	[sflag:s29] =	ssyncadd.s32 $0xFFFFFFFF  }
0xb7: {  	_ =	strace $0x90000048  }
0xb8: {  	_ =	sfence  }
0xb9: {  	s30 =	sld [smem:$0x0];
	_ =	sdelay $0x2  }
0xba: {  	s31 =	sshll.u32 s1, $0xD;
	s1 =	sshrl.u32 s1, $0x2  }
0xbb: {  	s3 =	sand.u32 $0x4000, s31;
	s1 =	sadd.s32 s1, s30  }
0xbc: {  	s0 =	sor.u32 s3, s0;
	s1 =	sshll.u32 s1, $0x11  }
0xbd: {  	s0 =	sor.u32 s1, s0  }
0xbe: {  	s0 =	sadd.s32 $0x8F2B, s0  }
0xbf: {  	[sflag:s0] =	ssyncadd.remote.s32 $0x1  }
0xc0: {  	_ =	sfence.sel $0xFFFF  }
0xc1: {  	[dreg:$0x0] =	wrdreg $0xFFFFFFFF;
	(pc) =	sbr.abs _section_cstart, $3  }
0xc2: {  	[dreg:$0x1] =	wrdreg $0xFFFFFFFF  }
0xc3: {  	_ =	task.clear_ibuf [dreg:s8], $0x2FFFF;
	_ =	strace $0x9FFFFFFF  }
0xc4: {  	(tm) =	ssettm $0x7FFFFFFF  }
0xc5: {  	_ =	shalt  }
tec
execute0_lowered:
.L_overlay_start_1:
0x0: {  	(tag) =	ssettag $0x1  }
0x1: {  	s4 =	rddreg [dreg:$0x0]  }
0x2: {  	s2 =	rddreg [dreg:$0x1]  }
0x3: {  	s1 =	srdreg.scid;
	s0 =	stileid.u32  }
0x4: {  	s28 =	rddreg [dreg:$0x2];
	s29 =	sand.u32 $0x1, s1;
	s5 =	sshll.u32 s0, $0x1  }
0x5: {  	s3 =	simm.s32 $0x0;
	s1 =	rddreg [dreg:$0x3];
	s30 =	sor.u32 s29, s5  }
0x6: {  	[smem:$0x7FF] =	sst s3;
	s5 =	sshll.u32 s30, $0x8  }
0x7: {  	_ =	strace $0x80000047;
	s5 =	sadd.s32 s4, s5;
	s4 =	simm.s32 $0x2  }
0x8: {  	[tilespmem:s3], [sflag:$0x2] =	stream.linear.gather [hbm4b:s5+s3], $0x500, $0x38;
	[tilespmem:$0x19800] =	vst v63  }
0x9: {  	_ =	swait.ge [sflag:s4], $0x500  }
0xa: {  	[sflag:s4] =	ssyncset.done $0x0  }
0xb: {  	s6 =	simm.s32 $0x50;
	s7 =	simm.s32 $0x800;
	[sflag:s4] =	ssyncadd.s32 $0xFFFFFB00  }
0xc: {  	[tilespmem:s7], [sflag:$0x1] =	stream.indirect.gather [hbm4b:s2+s6], $0x80, s3, s6, $0xb8;
	[tilespmem:$0x19800] =	vst v63  }
0xd: {  	s8 =	simm.s32 $0x80;
	s9 =	simm.s32 $0x3000  }
0xe: {  	[tilespmem:s9], [sflag:$0x1] =	stream.indirect.gather [hbm4b:s2+s6], $0x80, s8, s6, $0xb8;
	[tilespmem:$0x19800] =	vst v63  }
0xf: {  	s10 =	simm.s32 $0x100;
	s11 =	simm.s32 $0x5800  }
0x10: {  	[tilespmem:s11], [sflag:$0x1] =	stream.indirect.gather [hbm4b:s2+s6], $0x80, s10, s6, $0xb8;
	[tilespmem:$0x19800] =	vst v63  }
0x11: {  	s12 =	simm.s32 $0x180;
	s13 =	simm.s32 $0x8000  }
0x12: {  	[tilespmem:s13], [sflag:$0x1] =	stream.indirect.gather [hbm4b:s2+s6], $0x80, s12, s6, $0xb8;
	[tilespmem:$0x19800] =	vst v63  }
0x13: {  	s14 =	simm.s32 $0x200;
	s15 =	simm.s32 $0xA800  }
0x14: {  	[tilespmem:s15], [sflag:$0x1] =	stream.indirect.gather [hbm4b:s2+s6], $0x80, s14, s6, $0xb8;
	[tilespmem:$0x19800] =	vst v63  }
0x15: {  	s16 =	simm.s32 $0x280;
	s17 =	simm.s32 $0xD000  }
0x16: {  	[tilespmem:s17], [sflag:$0x1] =	stream.indirect.gather [hbm4b:s2+s6], $0x80, s16, s6, $0xb8;
	[tilespmem:$0x19800] =	vst v63  }
0x17: {  	s18 =	simm.s32 $0x300;
	s19 =	simm.s32 $0xF800  }
0x18: {  	[tilespmem:s19], [sflag:$0x1] =	stream.indirect.gather [hbm4b:s2+s6], $0x80, s18, s6, $0xb8;
	[tilespmem:$0x19800] =	vst v63  }
0x19: {  	s20 =	simm.s32 $0x380;
	s21 =	simm.s32 $0x12000  }
0x1a: {  	[tilespmem:s21], [sflag:$0x1] =	stream.indirect.gather [hbm4b:s2+s6], $0x80, s20, s6, $0xb8;
	[tilespmem:$0x19800] =	vst v63  }
0x1b: {  	s22 =	simm.s32 $0x400;
	s23 =	simm.s32 $0x14800  }
0x1c: {  	[tilespmem:s23], [sflag:$0x1] =	stream.indirect.gather [hbm4b:s2+s6], $0x80, s22, s6, $0xb8;
	[tilespmem:$0x19800] =	vst v63  }
0x1d: {  	s24 =	simm.s32 $0x480;
	s25 =	simm.s32 $0x17000;
	s26 =	simm.s32 $0x1  }
0x1e: {  	[tilespmem:s25], [sflag:$0x1] =	stream.indirect.gather [hbm4b:s2+s6], $0x80, s24, s6, $0xb8;
	[tilespmem:$0x19800] =	vst v63  }
0x1f: {  	_ =	swait.ge [sflag:s26], $0x2800  }
0x20: {  	[sflag:s26] =	ssyncset.done $0x0  }
0x21: {  	[sflag:s26] =	ssyncadd.s32 $0xFFFFD800  }
0x22: {  	_ =	swait.ge [sflag:s26], $0x2800  }
0x23: {  	[sflag:s26] =	ssyncset.done $0x0  }
0x24: {  	[sflag:s26] =	ssyncadd.s32 $0xFFFFD800  }
0x25: {  	_ =	swait.ge [sflag:s26], $0x2800  }
0x26: {  	[sflag:s26] =	ssyncset.done $0x0  }
0x27: {  	[sflag:s26] =	ssyncadd.s32 $0xFFFFD800  }
0x28: {  	_ =	swait.ge [sflag:s26], $0x2800  }
0x29: {  	[sflag:s26] =	ssyncset.done $0x0  }
0x2a: {  	[sflag:s26] =	ssyncadd.s32 $0xFFFFD800  }
0x2b: {  	_ =	swait.ge [sflag:s26], $0x2800  }
0x2c: {  	[sflag:s26] =	ssyncset.done $0x0  }
0x2d: {  	[sflag:s26] =	ssyncadd.s32 $0xFFFFD800  }
0x2e: {  	_ =	swait.ge [sflag:s26], $0x2800  }
0x2f: {  	[sflag:s26] =	ssyncset.done $0x0  }
0x30: {  	[sflag:s26] =	ssyncadd.s32 $0xFFFFD800  }
0x31: {  	_ =	swait.ge [sflag:s26], $0x2800  }
0x32: {  	[sflag:s26] =	ssyncset.done $0x0  }
0x33: {  	[sflag:s26] =	ssyncadd.s32 $0xFFFFD800  }
0x34: {  	_ =	swait.ge [sflag:s26], $0x2800  }
0x35: {  	[sflag:s26] =	ssyncset.done $0x0  }
0x36: {  	s29 =	ssub.s32 $0x2, s29;
	[sflag:s26] =	ssyncadd.s32 $0xFFFFD800  }
0x37: {  	s31 =	sshrl.u32 s29, $0x1;
	_ =	swait.ge [sflag:s26], $0x2800  }
0x38: {  	s29 =	ssub.s32 s29, s31;
	[sflag:s26] =	ssyncset.done $0x0  }
0x39: {  	s30 =	smul.u32 $0x3200, s30;
	s29 =	smax.u32 s29, $0x1;
	[sflag:s26] =	ssyncadd.s32 $0xFFFFD800  }
0x3a: {  	p0 =	sne.s32 s29, $0x1;
	_ =	swait.ge [sflag:s26], $0x2800  }
.Ltmp0:
0x3b: {  	s28 =	sadd.s32 s30, s28;
	[sflag:s26] =	ssyncset.done $0x0;
	(pc) =	sbr.rel @!p0 .LBB2_2-.Ltmp0, $4  }
0x3c: {  	s28 =	sadd.s32 $0x600, s28;
	[sflag:s26] =	ssyncadd.s32 $0xFFFFD800  }
0x3d: {  	[hbm4b:s28+s3] =	stream.linear.scatter [tilespmem:s7], [sflag:$0x2], $0x19000, $0x38;
	[tilespmem:$0x19800] =	vst v63  }
0x3e: {  	_ =	swait.ge [sflag:s4], $0x19000  }
0x3f: {  	s29 =	sadd.s32 $0xFFFFFFFF, s29;
	[sflag:s4] =	ssyncset.done $0x0  }
.LBB2_1:
0x40: {  	p0 =	sne.s32 s29, $0x1;
	s29 =	sadd.s32 $0xFFFFFFFF, s29;
	[sflag:s4] =	ssyncadd.s32 $0xFFFE7000  }
0x41: {  	[tilespmem:s3], [sflag:$0x2] =	stream.linear.gather [hbm4b:s5+s3], $0x500, $0x38;
	[tilespmem:$0x19800] =	vst v63  }
0x42: {  	_ =	swait.ge [sflag:s4], $0x500  }
0x43: {  	[sflag:s4] =	ssyncset.done $0x0  }
0x44: {  	[sflag:s4] =	ssyncadd.s32 $0xFFFFFB00  }
0x45: {  	[tilespmem:s7], [sflag:$0x1] =	stream.indirect.gather [hbm4b:s2+s6], $0x80, s3, s6, $0xb8;
	[tilespmem:$0x19800] =	vst v63  }
0x46: {  	_ = 	snop  }
0x47: {  	[tilespmem:s9], [sflag:$0x1] =	stream.indirect.gather [hbm4b:s2+s6], $0x80, s8, s6, $0xb8;
	[tilespmem:$0x19800] =	vst v63  }
0x48: {  	_ = 	snop  }
0x49: {  	[tilespmem:s11], [sflag:$0x1] =	stream.indirect.gather [hbm4b:s2+s6], $0x80, s10, s6, $0xb8;
	[tilespmem:$0x19800] =	vst v63  }
0x4a: {  	_ = 	snop  }
0x4b: {  	[tilespmem:s13], [sflag:$0x1] =	stream.indirect.gather [hbm4b:s2+s6], $0x80, s12, s6, $0xb8;
	[tilespmem:$0x19800] =	vst v63  }
0x4c: {  	_ = 	snop  }
0x4d: {  	[tilespmem:s15], [sflag:$0x1] =	stream.indirect.gather [hbm4b:s2+s6], $0x80, s14, s6, $0xb8;
	[tilespmem:$0x19800] =	vst v63  }
0x4e: {  	_ = 	snop  }
0x4f: {  	[tilespmem:s17], [sflag:$0x1] =	stream.indirect.gather [hbm4b:s2+s6], $0x80, s16, s6, $0xb8;
	[tilespmem:$0x19800] =	vst v63  }
0x50: {  	_ = 	snop  }
0x51: {  	[tilespmem:s19], [sflag:$0x1] =	stream.indirect.gather [hbm4b:s2+s6], $0x80, s18, s6, $0xb8;
	[tilespmem:$0x19800] =	vst v63  }
0x52: {  	_ = 	snop  }
0x53: {  	[tilespmem:s21], [sflag:$0x1] =	stream.indirect.gather [hbm4b:s2+s6], $0x80, s20, s6, $0xb8;
	[tilespmem:$0x19800] =	vst v63  }
0x54: {  	_ = 	snop  }
0x55: {  	[tilespmem:s23], [sflag:$0x1] =	stream.indirect.gather [hbm4b:s2+s6], $0x80, s22, s6, $0xb8;
	[tilespmem:$0x19800] =	vst v63  }
0x56: {  	_ = 	snop  }
0x57: {  	[tilespmem:s25], [sflag:$0x1] =	stream.indirect.gather [hbm4b:s2+s6], $0x80, s24, s6, $0xb8;
	[tilespmem:$0x19800] =	vst v63  }
0x58: {  	_ =	swait.ge [sflag:s26], $0x2800  }
0x59: {  	[sflag:s26] =	ssyncset.done $0x0  }
0x5a: {  	[sflag:s26] =	ssyncadd.s32 $0xFFFFD800  }
0x5b: {  	_ =	swait.ge [sflag:s26], $0x2800  }
0x5c: {  	[sflag:s26] =	ssyncset.done $0x0  }
0x5d: {  	[sflag:s26] =	ssyncadd.s32 $0xFFFFD800  }
0x5e: {  	_ =	swait.ge [sflag:s26], $0x2800  }
0x5f: {  	[sflag:s26] =	ssyncset.done $0x0  }
0x60: {  	[sflag:s26] =	ssyncadd.s32 $0xFFFFD800  }
0x61: {  	_ =	swait.ge [sflag:s26], $0x2800  }
0x62: {  	[sflag:s26] =	ssyncset.done $0x0  }
0x63: {  	[sflag:s26] =	ssyncadd.s32 $0xFFFFD800  }
0x64: {  	_ =	swait.ge [sflag:s26], $0x2800  }
0x65: {  	[sflag:s26] =	ssyncset.done $0x0  }
0x66: {  	[sflag:s26] =	ssyncadd.s32 $0xFFFFD800  }
0x67: {  	_ =	swait.ge [sflag:s26], $0x2800  }
0x68: {  	[sflag:s26] =	ssyncset.done $0x0  }
0x69: {  	[sflag:s26] =	ssyncadd.s32 $0xFFFFD800  }
0x6a: {  	_ =	swait.ge [sflag:s26], $0x2800  }
0x6b: {  	[sflag:s26] =	ssyncset.done $0x0  }
0x6c: {  	[sflag:s26] =	ssyncadd.s32 $0xFFFFD800  }
0x6d: {  	_ =	swait.ge [sflag:s26], $0x2800  }
0x6e: {  	[sflag:s26] =	ssyncset.done $0x0  }
0x6f: {  	[sflag:s26] =	ssyncadd.s32 $0xFFFFD800  }
0x70: {  	_ =	swait.ge [sflag:s26], $0x2800  }
0x71: {  	[sflag:s26] =	ssyncset.done $0x0  }
0x72: {  	[sflag:s26] =	ssyncadd.s32 $0xFFFFD800  }
0x73: {  	_ =	swait.ge [sflag:s26], $0x2800  }
.Ltmp1:
0x74: {  	[sflag:s26] =	ssyncset.done $0x0;
	(pc) =	sbr.rel @p0 .LBB2_1-.Ltmp1, $4  }
0x75: {  	[sflag:s26] =	ssyncadd.s32 $0xFFFFD800  }
0x76: {  	[hbm4b:s28+s3] =	stream.linear.scatter [tilespmem:s7], [sflag:$0x2], $0x19000, $0x38;
	[tilespmem:$0x19800] =	vst v63  }
0x77: {  	_ =	swait.ge [sflag:s4], $0x19000  }
0x78: {  	[sflag:s4] =	ssyncset.done $0x0  }
.LBB2_2:
0x79: {  	[sflag:s4] =	ssyncadd.s32 $0xFFFE7000  }
0x7a: {  	_ =	sfence.sel $0x180000  }
0x7b: {  	[bflag:$0x0] =	sbarrier.arrive $0xFFFF  }
0x7c: {  	p0 =	sne.s32 s0, $0x0;
	_ =	strace $0x90000047  }
0x7d: {  	s0 =	sadd.s32 @!p0 $0x100000, s1;
	[bflag:$0x2] =	sbarrier.arrive $0xFFFF  }
0x7e: {  	[sflag:s0] =	ssyncadd.tile.s32 @!p0 $0x1;
	_ =	shalt  }
.Lfunc_end2:
_tile_overlayer_lowered:
.L_overlay_start_2:
0x7f: {  	(tag) =	ssettag $0x2  }
0x80: {  	s0 =	rddreg [dreg:$0x0];
	s2 =	stileid.u32  }
0x81: {  	s1 =	rddreg [dreg:$0x1];
	p0 =	sne.s32 s2, $0x0  }
0x82: {  	s3 =	rddreg [dreg:$0x2];
	[bflag:$0x3] =	sbarrier.arrive $0xFFFF;
	s2 =	simm.s32 @!p0 $0x1C02  }
0x83: {  	[timem:s3], [sflag:s2] =	dma.local @!p0 [hbm:s0], s1  }
0x84: {  	s0 =	simm.s32 @!p0 $0x2  }
0x85: {  	_ =	swait.ge @!p0 [sflag:s0], s1  }
0x86: {  	s1 =	ssub.s32 @!p0 $0x0, s1;
	[sflag:s0] =	ssyncset.done @!p0 $0x0  }
0x87: {  	[sflag:s0] =	ssyncadd.s32 @!p0 s1  }
0x88: {  	[bflag:$0x3] =	sbarrier.arrive $0xFFFF  }
0x89: {  	_ =	shalt  }

</sc_bundles>
